<compile_context>
chip_gen: v7x
topology: tpu7x:2x2x1
jax: 0.10.2.dev20260603
libtpu: 0.0.44.dev20260713+nightly
codegen_flags: <defaults>
</compile_context>

<pallas_src>
import functools

import jax
import jax.numpy as jnp
from jax import lax
from jax.experimental import pallas as pl
from jax.experimental.pallas import tpu as pltpu
from jax.experimental.pallas import tpu_sc as plsc

SIGMA = 0.05
K_TOP = 49
GROUP = 8
D_PAD = 208
_INT_MIN = -2147483648
_POS_MASK = 0x7FFFFFFF


def _tc_body(x_ref, noise_ref, out_ref, *, ns, d, k, g):
    x = x_ref[:]
    noise = noise_ref[:]
    v = (x + SIGMA * noise).reshape(g * ns, d)

    vt = jnp.transpose(v)
    rows = g * ns

    bits = lax.bitcast_convert_type(vt, jnp.int32)
    key = jnp.where(bits >= 0, bits, bits ^ jnp.int32(_POS_MASK))

    def sel_step(i, t):
        p = 31 - i
        t_cand = t + (jnp.int32(1) << p)
        cnt = jnp.sum((key >= t_cand).astype(jnp.int32), axis=0, keepdims=True)
        return jnp.where(cnt >= k, t_cand, t)

    t0 = jnp.full((1, rows), _INT_MIN, jnp.int32)
    t = lax.fori_loop(0, 32, sel_step, t0)

    m_gt = key > t
    cnt_gt = jnp.sum(m_gt.astype(jnp.int32), axis=0, keepdims=True)
    need = (k - cnt_gt).astype(jnp.float32)
    eq = key == t

    row_i = lax.broadcasted_iota(jnp.int32, (d, d), 0)
    col_i = lax.broadcasted_iota(jnp.int32, (d, d), 1)
    low_strict = (row_i > col_i).astype(jnp.float32)
    low_incl = (row_i >= col_i).astype(jnp.float32)

    eq_rank = jnp.dot(low_strict, eq.astype(jnp.float32),
                      preferred_element_type=jnp.float32)
    m = m_gt | (eq & (eq_rank < need))

    s = jnp.dot(low_incl, m.astype(jnp.float32),
                preferred_element_type=jnp.float32)
    d_iota = lax.broadcasted_iota(jnp.int32, (d, rows), 0).astype(jnp.float32)
    c = jnp.where(m, s - 1.0, k + d_iota - s)
    ci_t = c.astype(jnp.int32)

    ci = jnp.transpose(ci_t)
    lane = lax.broadcasted_iota(jnp.int32, (rows, d), 1)
    flat = ci * D_PAD + lane
    pad = lax.broadcasted_iota(jnp.int32, (rows, D_PAD - d), 1) + d
    out_ref[:] = jnp.concatenate([flat, pad], axis=1).reshape(g, ns, D_PAD)


def _tc_indices(x, noise):
    b, d = x.shape
    ns = noise.shape[1]
    g = GROUP
    x3 = x.reshape(b, 1, d)
    body = functools.partial(_tc_body, ns=ns, d=d, k=K_TOP, g=g)
    return pl.pallas_call(
        body,
        grid=(b // g,),
        in_specs=[
            pl.BlockSpec((g, 1, d), lambda i: (i, 0, 0)),
            pl.BlockSpec((g, ns, d), lambda i: (i, 0, 0)),
        ],
        out_specs=pl.BlockSpec((g, ns, D_PAD), lambda i: (i, 0, 0)),
        out_shape=jax.ShapeDtypeStruct((b, ns, D_PAD), jnp.int32),
    )(x3, noise)


def _sc_histogram(ci, b, ns, d, k):
    inv_ns = 1.0 / ns
    nchunk = D_PAD // 16
    runroll = 8

    @functools.partial(
        pl.kernel,
        mesh=plsc.VectorSubcoreMesh(core_axis_name="c", subcore_axis_name="s"),
        out_type=jax.ShapeDtypeStruct((b, d * D_PAD), jnp.float32),
        scratch_types=[
            pltpu.VMEM((ns * D_PAD,), jnp.int32),
            pltpu.VMEM((d * D_PAD,), jnp.float32),
            pltpu.SemaphoreType.DMA,
        ],
        compiler_params=pltpu.CompilerParams(needs_layout_passes=False),
    )
    def run(ci_hbm, out_hbm, rows_v, acc, sem):
        cid = lax.axis_index("c")
        sid = lax.axis_index("s")
        my_b = cid * (b // 2) + sid

        @pl.when(sid < b // 2)
        def _():
            cp = pltpu.async_copy(ci_hbm.at[my_b], rows_v, sem)

            zero = jnp.zeros((16,), jnp.float32)

            def _zero(r, carry):
                for ch in range(nchunk):
                    off = pl.multiple_of(r * D_PAD + ch * 16, 16)
                    acc[pl.ds(off, 16)] = zero
                return carry

            lax.fori_loop(0, d, _zero, 0)

            cp.wait()
            inv = jnp.full((16,), inv_ns, jnp.float32)

            def _scatter(r, carry):
                base = r * (runroll * D_PAD)
                for u in range(runroll * nchunk):
                    off = pl.multiple_of(base + u * 16, 16)
                    plsc.addupdate_scatter(acc, [rows_v[pl.ds(off, 16)]], inv)
                return carry

            lax.fori_loop(0, ns // runroll, _scatter, 0)

            pltpu.sync_copy(acc, out_hbm.at[my_b])

    return run(ci.reshape(b, ns * D_PAD))


def kernel(x, noise):
    b, d = x.shape
    ns = noise.shape[1]
    k = K_TOP
    ci = _tc_indices(x, noise)
    out = _sc_histogram(ci, b, ns, d, k).reshape(b, d, D_PAD)
    return out[:, :k, :d], out[:, k:, :d]

# --- scband reference (transcript-rebuilt; emitter-appended) ---
"""Pipeline reference for scband-perturbed-top-k-79980880986196 (READ-ONLY COPY).

The authoritative reference and input builder live on the scoring server;
editing this copy changes nothing except your own understanding.
"""

import jax, jax.numpy as jnp
import numpy as np

B = 16
D = 196
K = 49
NUM_SAMPLES = 256
SIGMA = 0.05


def setup_inputs(seed: int = 0) -> dict:
    key = jax.random.key(seed)
    k1, k2 = jax.random.split(key)
    x = jax.random.normal(k1, (B, D), dtype=jnp.float32)
    # noise drawn inside torch forward; materialized here for determinism
    noise = jax.random.normal(k2, (B, NUM_SAMPLES, D), dtype=jnp.float32)
    return {"x": x, "noise": noise}


def reference(x, noise):
    b, d = x.shape
    perturbed_x = x[:, None, :] + noise * SIGMA  # [b, ns, d]
    _, indices = jax.lax.top_k(perturbed_x, K)  # [b, ns, k]
    sorted_indices = jnp.sort(indices, axis=-1)  # ascending, matches torch.sort
    topk_perturbed_output = jax.nn.one_hot(sorted_indices, d, dtype=jnp.float32)  # [b, ns, k, d]
    topk_indicators = topk_perturbed_output.mean(axis=1)  # [b, k, d]
    # non-topk mask: 1 where index NOT selected (torch scatter_(2, sorted_indices, 0))
    selected = topk_perturbed_output.sum(axis=2)  # [b, ns, d], 1.0 at topk positions
    non_topk_mask = 1.0 - selected  # [b, ns, d]
    # torch boolean-select preserves ascending index order; stable argsort of
    # (1 - mask) puts non-topk indices first, in ascending index order
    order = jnp.argsort(1.0 - non_topk_mask, axis=-1, stable=True)  # [b, ns, d]
    non_topk_indices = order[..., : d - K]  # [b, ns, d-k]
    non_topk_perturbed_output = jax.nn.one_hot(non_topk_indices, d, dtype=jnp.float32)  # [b, ns, d-k, d]
    non_topk_indicators = non_topk_perturbed_output.mean(axis=1)  # [b, d-k, d]
    return (topk_indicators, non_topk_indicators)

if __name__ == "__main__":
    import jax
    _d = setup_inputs()
    print(jax.jit(kernel)(*tuple(_d.values())))

</pallas_src>

<mosaic_0001>
#map = affine_map<(d0, d1) -> (0, 0)>
module attributes {stable_mosaic.version = 14 : i64} {
  func.func @run(%arg0: i32, %arg1: i32, %arg2: memref<16x53248xi32, #tpu.memory_space<hbm>>, %arg3: memref<16x40768xf32, #tpu.memory_space<hbm>>, %arg4: memref<53248xi32, #tpu.memory_space<vmem>>, %arg5: memref<40768xf32, #tpu.memory_space<vmem>>, %arg6: memref<!tpu.dma_semaphore, #tpu.memory_space<semaphore_mem>>) attributes {dimension_semantics = [#tpu.dimension_semantics<core_parallel>, #tpu.dimension_semantics<subcore_parallel>], iteration_bounds = array<i64: 2, 16>, scalar_prefetch = 0 : i64, scratch_operands = 3 : i64, tpu.core_type = #tpu.core_type<sc_vector_subcore>, window_params = [{transform_indices = #map}, {transform_indices = #map}]} {
    %mul3A = arith.constant 8 : i32
    %mul3A_0 = arith.muli %arg0, %mul3A : i32
    %add3A = arith.addi %mul3A_0, %arg1 : i32
    %lt3A = arith.constant 8 : i32
    %lt3A_1 = arith.cmpi slt, %arg1, %lt3A : i32
    %convert_element_type3A = arith.extui %lt3A_1 : i1 to i32
    %cond3A = arith.constant 0 : i32
    %cond3A_2 = arith.cmpi ne, %convert_element_type3A, %cond3A : i32
    scf.if %cond3A_2 {
      %dma_start3A = arith.constant 0 : i32
      %dma_start3A_3 = tpu.memref_slice %arg2[%add3A, %dma_start3A] : memref<16x53248xi32, #tpu.memory_space<hbm>> -> memref<1x53248xi32, #tpu.memory_space<hbm>>
      %dma_start3A_4 = tpu.memref_squeeze %dma_start3A_3 : memref<1x53248xi32, #tpu.memory_space<hbm>> -> memref<53248xi32, #tpu.memory_space<hbm>>
      %dma_start3A_5 = arith.constant 0 : i32
      %dma_start3A_6 = tpu.memref_slice %arg2[%add3A, %dma_start3A_5] : memref<16x53248xi32, #tpu.memory_space<hbm>> -> memref<1x53248xi32, #tpu.memory_space<hbm>>
      %dma_start3A_7 = tpu.memref_squeeze %dma_start3A_6 : memref<1x53248xi32, #tpu.memory_space<hbm>> -> memref<53248xi32, #tpu.memory_space<hbm>>
      tpu.enqueue_dma source(%dma_start3A_7 : memref<53248xi32, #tpu.memory_space<hbm>>) target(%arg4 : memref<53248xi32, #tpu.memory_space<vmem>>) target_semaphore(%arg6 : memref<!tpu.dma_semaphore, #tpu.memory_space<semaphore_mem>>)
      %broadcast_in_dim3A = arith.constant 0.000000e+00 : f32
      %broadcast_in_dim3A_8 = vector.broadcast %broadcast_in_dim3A : f32 to vector<16xf32>
      %scan3A = arith.constant 0 : i32
      %scan3A_9 = arith.constant 0 : i32
      %scan3A_10 = arith.constant 196 : i32
      %scan3A_11 = arith.addi %scan3A_9, %scan3A_10 : i32
      %scan3A_12 = arith.constant 1 : i32
      scf.for %scan3A_27 = %scan3A_9 to %scan3A_11 step %scan3A_12  : i32 {
        %mul3A_28 = arith.constant 208 : i32
        %mul3A_29 = arith.muli %scan3A_27, %mul3A_28 : i32
        %add3A_30 = arith.constant 0 : i32
        %add3A_31 = arith.addi %mul3A_29, %add3A_30 : i32
        %multiple_of3A = tpu.assume_multiple %add3A_31, 16 : i32
        %swap3A = arith.index_cast %multiple_of3A : i32 to index
        %swap3A_32 = tpu.vector_load %arg5[%swap3A] {strides = array<i32>} : memref<40768xf32, #tpu.memory_space<vmem>>, vector<16xf32>,
        tpu.vector_store %arg5[%swap3A], %broadcast_in_dim3A_8 {strides = array<i32>} : memref<40768xf32, #tpu.memory_space<vmem>>, vector<16xf32>,
        %mul3A_33 = arith.constant 208 : i32
        %mul3A_34 = arith.muli %scan3A_27, %mul3A_33 : i32
        %add3A_35 = arith.constant 16 : i32
        %add3A_36 = arith.addi %mul3A_34, %add3A_35 : i32
        %multiple_of3A_37 = tpu.assume_multiple %add3A_36, 16 : i32
        %swap3A_38 = arith.index_cast %multiple_of3A_37 : i32 to index
        %swap3A_39 = tpu.vector_load %arg5[%swap3A_38] {strides = array<i32>} : memref<40768xf32, #tpu.memory_space<vmem>>, vector<16xf32>,
        tpu.vector_store %arg5[%swap3A_38], %broadcast_in_dim3A_8 {strides = array<i32>} : memref<40768xf32, #tpu.memory_space<vmem>>, vector<16xf32>,
        %mul3A_40 = arith.constant 208 : i32
        %mul3A_41 = arith.muli %scan3A_27, %mul3A_40 : i32
        %add3A_42 = arith.constant 32 : i32
        %add3A_43 = arith.addi %mul3A_41, %add3A_42 : i32
        %multiple_of3A_44 = tpu.assume_multiple %add3A_43, 16 : i32
        %swap3A_45 = arith.index_cast %multiple_of3A_44 : i32 to index
        %swap3A_46 = tpu.vector_load %arg5[%swap3A_45] {strides = array<i32>} : memref<40768xf32, #tpu.memory_space<vmem>>, vector<16xf32>,
        tpu.vector_store %arg5[%swap3A_45], %broadcast_in_dim3A_8 {strides = array<i32>} : memref<40768xf32, #tpu.memory_space<vmem>>, vector<16xf32>,
        %mul3A_47 = arith.constant 208 : i32
        %mul3A_48 = arith.muli %scan3A_27, %mul3A_47 : i32
        %add3A_49 = arith.constant 48 : i32
        %add3A_50 = arith.addi %mul3A_48, %add3A_49 : i32
        %multiple_of3A_51 = tpu.assume_multiple %add3A_50, 16 : i32
        %swap3A_52 = arith.index_cast %multiple_of3A_51 : i32 to index
        %swap3A_53 = tpu.vector_load %arg5[%swap3A_52] {strides = array<i32>} : memref<40768xf32, #tpu.memory_space<vmem>>, vector<16xf32>,
        tpu.vector_store %arg5[%swap3A_52], %broadcast_in_dim3A_8 {strides = array<i32>} : memref<40768xf32, #tpu.memory_space<vmem>>, vector<16xf32>,
        %mul3A_54 = arith.constant 208 : i32
        %mul3A_55 = arith.muli %scan3A_27, %mul3A_54 : i32
        %add3A_56 = arith.constant 64 : i32
        %add3A_57 = arith.addi %mul3A_55, %add3A_56 : i32
        %multiple_of3A_58 = tpu.assume_multiple %add3A_57, 16 : i32
        %swap3A_59 = arith.index_cast %multiple_of3A_58 : i32 to index
        %swap3A_60 = tpu.vector_load %arg5[%swap3A_59] {strides = array<i32>} : memref<40768xf32, #tpu.memory_space<vmem>>, vector<16xf32>,
        tpu.vector_store %arg5[%swap3A_59], %broadcast_in_dim3A_8 {strides = array<i32>} : memref<40768xf32, #tpu.memory_space<vmem>>, vector<16xf32>,
        %mul3A_61 = arith.constant 208 : i32
        %mul3A_62 = arith.muli %scan3A_27, %mul3A_61 : i32
        %add3A_63 = arith.constant 80 : i32
        %add3A_64 = arith.addi %mul3A_62, %add3A_63 : i32
        %multiple_of3A_65 = tpu.assume_multiple %add3A_64, 16 : i32
        %swap3A_66 = arith.index_cast %multiple_of3A_65 : i32 to index
        %swap3A_67 = tpu.vector_load %arg5[%swap3A_66] {strides = array<i32>} : memref<40768xf32, #tpu.memory_space<vmem>>, vector<16xf32>,
        tpu.vector_store %arg5[%swap3A_66], %broadcast_in_dim3A_8 {strides = array<i32>} : memref<40768xf32, #tpu.memory_space<vmem>>, vector<16xf32>,
        %mul3A_68 = arith.constant 208 : i32
        %mul3A_69 = arith.muli %scan3A_27, %mul3A_68 : i32
        %add3A_70 = arith.constant 96 : i32
        %add3A_71 = arith.addi %mul3A_69, %add3A_70 : i32
        %multiple_of3A_72 = tpu.assume_multiple %add3A_71, 16 : i32
        %swap3A_73 = arith.index_cast %multiple_of3A_72 : i32 to index
        %swap3A_74 = tpu.vector_load %arg5[%swap3A_73] {strides = array<i32>} : memref<40768xf32, #tpu.memory_space<vmem>>, vector<16xf32>,
        tpu.vector_store %arg5[%swap3A_73], %broadcast_in_dim3A_8 {strides = array<i32>} : memref<40768xf32, #tpu.memory_space<vmem>>, vector<16xf32>,
        %mul3A_75 = arith.constant 208 : i32
        %mul3A_76 = arith.muli %scan3A_27, %mul3A_75 : i32
        %add3A_77 = arith.constant 112 : i32
        %add3A_78 = arith.addi %mul3A_76, %add3A_77 : i32
        %multiple_of3A_79 = tpu.assume_multiple %add3A_78, 16 : i32
        %swap3A_80 = arith.index_cast %multiple_of3A_79 : i32 to index
        %swap3A_81 = tpu.vector_load %arg5[%swap3A_80] {strides = array<i32>} : memref<40768xf32, #tpu.memory_space<vmem>>, vector<16xf32>,
        tpu.vector_store %arg5[%swap3A_80], %broadcast_in_dim3A_8 {strides = array<i32>} : memref<40768xf32, #tpu.memory_space<vmem>>, vector<16xf32>,
        %mul3A_82 = arith.constant 208 : i32
        %mul3A_83 = arith.muli %scan3A_27, %mul3A_82 : i32
        %add3A_84 = arith.constant 128 : i32
        %add3A_85 = arith.addi %mul3A_83, %add3A_84 : i32
        %multiple_of3A_86 = tpu.assume_multiple %add3A_85, 16 : i32
        %swap3A_87 = arith.index_cast %multiple_of3A_86 : i32 to index
        %swap3A_88 = tpu.vector_load %arg5[%swap3A_87] {strides = array<i32>} : memref<40768xf32, #tpu.memory_space<vmem>>, vector<16xf32>,
        tpu.vector_store %arg5[%swap3A_87], %broadcast_in_dim3A_8 {strides = array<i32>} : memref<40768xf32, #tpu.memory_space<vmem>>, vector<16xf32>,
        %mul3A_89 = arith.constant 208 : i32
        %mul3A_90 = arith.muli %scan3A_27, %mul3A_89 : i32
        %add3A_91 = arith.constant 144 : i32
        %add3A_92 = arith.addi %mul3A_90, %add3A_91 : i32
        %multiple_of3A_93 = tpu.assume_multiple %add3A_92, 16 : i32
        %swap3A_94 = arith.index_cast %multiple_of3A_93 : i32 to index
        %swap3A_95 = tpu.vector_load %arg5[%swap3A_94] {strides = array<i32>} : memref<40768xf32, #tpu.memory_space<vmem>>, vector<16xf32>,
        tpu.vector_store %arg5[%swap3A_94], %broadcast_in_dim3A_8 {strides = array<i32>} : memref<40768xf32, #tpu.memory_space<vmem>>, vector<16xf32>,
        %mul3A_96 = arith.constant 208 : i32
        %mul3A_97 = arith.muli %scan3A_27, %mul3A_96 : i32
        %add3A_98 = arith.constant 160 : i32
        %add3A_99 = arith.addi %mul3A_97, %add3A_98 : i32
        %multiple_of3A_100 = tpu.assume_multiple %add3A_99, 16 : i32
        %swap3A_101 = arith.index_cast %multiple_of3A_100 : i32 to index
        %swap3A_102 = tpu.vector_load %arg5[%swap3A_101] {strides = array<i32>} : memref<40768xf32, #tpu.memory_space<vmem>>, vector<16xf32>,
        tpu.vector_store %arg5[%swap3A_101], %broadcast_in_dim3A_8 {strides = array<i32>} : memref<40768xf32, #tpu.memory_space<vmem>>, vector<16xf32>,
        %mul3A_103 = arith.constant 208 : i32
        %mul3A_104 = arith.muli %scan3A_27, %mul3A_103 : i32
        %add3A_105 = arith.constant 176 : i32
        %add3A_106 = arith.addi %mul3A_104, %add3A_105 : i32
        %multiple_of3A_107 = tpu.assume_multiple %add3A_106, 16 : i32
        %swap3A_108 = arith.index_cast %multiple_of3A_107 : i32 to index
        %swap3A_109 = tpu.vector_load %arg5[%swap3A_108] {strides = array<i32>} : memref<40768xf32, #tpu.memory_space<vmem>>, vector<16xf32>,
        tpu.vector_store %arg5[%swap3A_108], %broadcast_in_dim3A_8 {strides = array<i32>} : memref<40768xf32, #tpu.memory_space<vmem>>, vector<16xf32>,
        %mul3A_110 = arith.constant 208 : i32
        %mul3A_111 = arith.muli %scan3A_27, %mul3A_110 : i32
        %add3A_112 = arith.constant 192 : i32
        %add3A_113 = arith.addi %mul3A_111, %add3A_112 : i32
        %multiple_of3A_114 = tpu.assume_multiple %add3A_113, 16 : i32
        %swap3A_115 = arith.index_cast %multiple_of3A_114 : i32 to index
        %swap3A_116 = tpu.vector_load %arg5[%swap3A_115] {strides = array<i32>} : memref<40768xf32, #tpu.memory_space<vmem>>, vector<16xf32>,
        tpu.vector_store %arg5[%swap3A_115], %broadcast_in_dim3A_8 {strides = array<i32>} : memref<40768xf32, #tpu.memory_space<vmem>>, vector<16xf32>,
      }
      %scan3A_13 = arith.constant 196 : i32
      %dma_wait3A = arith.constant 0 : i32
      %dma_wait3A_14 = tpu.memref_slice %arg2[%add3A, %dma_wait3A] : memref<16x53248xi32, #tpu.memory_space<hbm>> -> memref<1x53248xi32, #tpu.memory_space<hbm>>
      %dma_wait3A_15 = tpu.memref_squeeze %dma_wait3A_14 : memref<1x53248xi32, #tpu.memory_space<hbm>> -> memref<53248xi32, #tpu.memory_space<hbm>>
      %dma_wait3A_16 = arith.constant 0 : i32
      %dma_wait3A_17 = tpu.memref_slice %arg2[%add3A, %dma_wait3A_16] : memref<16x53248xi32, #tpu.memory_space<hbm>> -> memref<1x53248xi32, #tpu.memory_space<hbm>>
      %dma_wait3A_18 = tpu.memref_squeeze %dma_wait3A_17 : memref<1x53248xi32, #tpu.memory_space<hbm>> -> memref<53248xi32, #tpu.memory_space<hbm>>
      tpu.wait_dma2 semaphore(%arg6 : memref<!tpu.dma_semaphore, #tpu.memory_space<semaphore_mem>>) src(%dma_wait3A_18 : memref<53248xi32, #tpu.memory_space<hbm>>) dst(%arg4 : memref<53248xi32, #tpu.memory_space<vmem>>)
      %broadcast_in_dim3A_19 = arith.constant 3.906250e-03 : f32
      %broadcast_in_dim3A_20 = vector.broadcast %broadcast_in_dim3A_19 : f32 to vector<16xf32>
      %scan3A_21 = arith.constant 0 : i32
      %scan3A_22 = arith.constant 0 : i32
      %scan3A_23 = arith.constant 32 : i32
      %scan3A_24 = arith.addi %scan3A_22, %scan3A_23 : i32
      %scan3A_25 = arith.constant 1 : i32
      scf.for %scan3A_27 = %scan3A_22 to %scan3A_24 step %scan3A_25  : i32 {
        %mul3A_28 = arith.constant 1664 : i32
        %mul3A_29 = arith.muli %scan3A_27, %mul3A_28 : i32
        %add3A_30 = arith.constant 0 : i32
        %add3A_31 = arith.addi %mul3A_29, %add3A_30 : i32
        %multiple_of3A = tpu.assume_multiple %add3A_31, 16 : i32
        %get3A = arith.index_cast %multiple_of3A : i32 to index
        %get3A_32 = tpu.vector_load %arg4[%get3A] {strides = array<i32>} : memref<53248xi32, #tpu.memory_space<vmem>>, vector<16xi32>,
        tpu.vector_store_idx %arg5[%get3A_32], %broadcast_in_dim3A_20 {add = true} : memref<40768xf32, #tpu.memory_space<vmem>>[vector<16xi32>], vector<16xf32>,
        %add3A_33 = arith.constant 16 : i32
        %add3A_34 = arith.addi %mul3A_29, %add3A_33 : i32
        %multiple_of3A_35 = tpu.assume_multiple %add3A_34, 16 : i32
        %get3A_36 = arith.index_cast %multiple_of3A_35 : i32 to index
        %get3A_37 = tpu.vector_load %arg4[%get3A_36] {strides = array<i32>} : memref<53248xi32, #tpu.memory_space<vmem>>, vector<16xi32>,
        tpu.vector_store_idx %arg5[%get3A_37], %broadcast_in_dim3A_20 {add = true} : memref<40768xf32, #tpu.memory_space<vmem>>[vector<16xi32>], vector<16xf32>,
        %add3A_38 = arith.constant 32 : i32
        %add3A_39 = arith.addi %mul3A_29, %add3A_38 : i32
        %multiple_of3A_40 = tpu.assume_multiple %add3A_39, 16 : i32
        %get3A_41 = arith.index_cast %multiple_of3A_40 : i32 to index
        %get3A_42 = tpu.vector_load %arg4[%get3A_41] {strides = array<i32>} : memref<53248xi32, #tpu.memory_space<vmem>>, vector<16xi32>,
        tpu.vector_store_idx %arg5[%get3A_42], %broadcast_in_dim3A_20 {add = true} : memref<40768xf32, #tpu.memory_space<vmem>>[vector<16xi32>], vector<16xf32>,
        %add3A_43 = arith.constant 48 : i32
        %add3A_44 = arith.addi %mul3A_29, %add3A_43 : i32
        %multiple_of3A_45 = tpu.assume_multiple %add3A_44, 16 : i32
        %get3A_46 = arith.index_cast %multiple_of3A_45 : i32 to index
        %get3A_47 = tpu.vector_load %arg4[%get3A_46] {strides = array<i32>} : memref<53248xi32, #tpu.memory_space<vmem>>, vector<16xi32>,
        tpu.vector_store_idx %arg5[%get3A_47], %broadcast_in_dim3A_20 {add = true} : memref<40768xf32, #tpu.memory_space<vmem>>[vector<16xi32>], vector<16xf32>,
        %add3A_48 = arith.constant 64 : i32
        %add3A_49 = arith.addi %mul3A_29, %add3A_48 : i32
        %multiple_of3A_50 = tpu.assume_multiple %add3A_49, 16 : i32
        %get3A_51 = arith.index_cast %multiple_of3A_50 : i32 to index
        %get3A_52 = tpu.vector_load %arg4[%get3A_51] {strides = array<i32>} : memref<53248xi32, #tpu.memory_space<vmem>>, vector<16xi32>,
        tpu.vector_store_idx %arg5[%get3A_52], %broadcast_in_dim3A_20 {add = true} : memref<40768xf32, #tpu.memory_space<vmem>>[vector<16xi32>], vector<16xf32>,
        %add3A_53 = arith.constant 80 : i32
        %add3A_54 = arith.addi %mul3A_29, %add3A_53 : i32
        %multiple_of3A_55 = tpu.assume_multiple %add3A_54, 16 : i32
        %get3A_56 = arith.index_cast %multiple_of3A_55 : i32 to index
        %get3A_57 = tpu.vector_load %arg4[%get3A_56] {strides = array<i32>} : memref<53248xi32, #tpu.memory_space<vmem>>, vector<16xi32>,
        tpu.vector_store_idx %arg5[%get3A_57], %broadcast_in_dim3A_20 {add = true} : memref<40768xf32, #tpu.memory_space<vmem>>[vector<16xi32>], vector<16xf32>,
        %add3A_58 = arith.constant 96 : i32
        %add3A_59 = arith.addi %mul3A_29, %add3A_58 : i32
        %multiple_of3A_60 = tpu.assume_multiple %add3A_59, 16 : i32
        %get3A_61 = arith.index_cast %multiple_of3A_60 : i32 to index
        %get3A_62 = tpu.vector_load %arg4[%get3A_61] {strides = array<i32>} : memref<53248xi32, #tpu.memory_space<vmem>>, vector<16xi32>,
        tpu.vector_store_idx %arg5[%get3A_62], %broadcast_in_dim3A_20 {add = true} : memref<40768xf32, #tpu.memory_space<vmem>>[vector<16xi32>], vector<16xf32>,
        %add3A_63 = arith.constant 112 : i32
        %add3A_64 = arith.addi %mul3A_29, %add3A_63 : i32
        %multiple_of3A_65 = tpu.assume_multiple %add3A_64, 16 : i32
        %get3A_66 = arith.index_cast %multiple_of3A_65 : i32 to index
        %get3A_67 = tpu.vector_load %arg4[%get3A_66] {strides = array<i32>} : memref<53248xi32, #tpu.memory_space<vmem>>, vector<16xi32>,
        tpu.vector_store_idx %arg5[%get3A_67], %broadcast_in_dim3A_20 {add = true} : memref<40768xf32, #tpu.memory_space<vmem>>[vector<16xi32>], vector<16xf32>,
        %add3A_68 = arith.constant 128 : i32
        %add3A_69 = arith.addi %mul3A_29, %add3A_68 : i32
        %multiple_of3A_70 = tpu.assume_multiple %add3A_69, 16 : i32
        %get3A_71 = arith.index_cast %multiple_of3A_70 : i32 to index
        %get3A_72 = tpu.vector_load %arg4[%get3A_71] {strides = array<i32>} : memref<53248xi32, #tpu.memory_space<vmem>>, vector<16xi32>,
        tpu.vector_store_idx %arg5[%get3A_72], %broadcast_in_dim3A_20 {add = true} : memref<40768xf32, #tpu.memory_space<vmem>>[vector<16xi32>], vector<16xf32>,
        %add3A_73 = arith.constant 144 : i32
        %add3A_74 = arith.addi %mul3A_29, %add3A_73 : i32
        %multiple_of3A_75 = tpu.assume_multiple %add3A_74, 16 : i32
        %get3A_76 = arith.index_cast %multiple_of3A_75 : i32 to index
        %get3A_77 = tpu.vector_load %arg4[%get3A_76] {strides = array<i32>} : memref<53248xi32, #tpu.memory_space<vmem>>, vector<16xi32>,
        tpu.vector_store_idx %arg5[%get3A_77], %broadcast_in_dim3A_20 {add = true} : memref<40768xf32, #tpu.memory_space<vmem>>[vector<16xi32>], vector<16xf32>,
        %add3A_78 = arith.constant 160 : i32
        %add3A_79 = arith.addi %mul3A_29, %add3A_78 : i32
        %multiple_of3A_80 = tpu.assume_multiple %add3A_79, 16 : i32
        %get3A_81 = arith.index_cast %multiple_of3A_80 : i32 to index
        %get3A_82 = tpu.vector_load %arg4[%get3A_81] {strides = array<i32>} : memref<53248xi32, #tpu.memory_space<vmem>>, vector<16xi32>,
        tpu.vector_store_idx %arg5[%get3A_82], %broadcast_in_dim3A_20 {add = true} : memref<40768xf32, #tpu.memory_space<vmem>>[vector<16xi32>], vector<16xf32>,
        %add3A_83 = arith.constant 176 : i32
        %add3A_84 = arith.addi %mul3A_29, %add3A_83 : i32
        %multiple_of3A_85 = tpu.assume_multiple %add3A_84, 16 : i32
        %get3A_86 = arith.index_cast %multiple_of3A_85 : i32 to index
        %get3A_87 = tpu.vector_load %arg4[%get3A_86] {strides = array<i32>} : memref<53248xi32, #tpu.memory_space<vmem>>, vector<16xi32>,
        tpu.vector_store_idx %arg5[%get3A_87], %broadcast_in_dim3A_20 {add = true} : memref<40768xf32, #tpu.memory_space<vmem>>[vector<16xi32>], vector<16xf32>,
        %add3A_88 = arith.constant 192 : i32
        %add3A_89 = arith.addi %mul3A_29, %add3A_88 : i32
        %multiple_of3A_90 = tpu.assume_multiple %add3A_89, 16 : i32
        %get3A_91 = arith.index_cast %multiple_of3A_90 : i32 to index
        %get3A_92 = tpu.vector_load %arg4[%get3A_91] {strides = array<i32>} : memref<53248xi32, #tpu.memory_space<vmem>>, vector<16xi32>,
        tpu.vector_store_idx %arg5[%get3A_92], %broadcast_in_dim3A_20 {add = true} : memref<40768xf32, #tpu.memory_space<vmem>>[vector<16xi32>], vector<16xf32>,
        %add3A_93 = arith.constant 208 : i32
        %add3A_94 = arith.addi %mul3A_29, %add3A_93 : i32
        %multiple_of3A_95 = tpu.assume_multiple %add3A_94, 16 : i32
        %get3A_96 = arith.index_cast %multiple_of3A_95 : i32 to index
        %get3A_97 = tpu.vector_load %arg4[%get3A_96] {strides = array<i32>} : memref<53248xi32, #tpu.memory_space<vmem>>, vector<16xi32>,
        tpu.vector_store_idx %arg5[%get3A_97], %broadcast_in_dim3A_20 {add = true} : memref<40768xf32, #tpu.memory_space<vmem>>[vector<16xi32>], vector<16xf32>,
        %add3A_98 = arith.constant 224 : i32
        %add3A_99 = arith.addi %mul3A_29, %add3A_98 : i32
        %multiple_of3A_100 = tpu.assume_multiple %add3A_99, 16 : i32
        %get3A_101 = arith.index_cast %multiple_of3A_100 : i32 to index
        %get3A_102 = tpu.vector_load %arg4[%get3A_101] {strides = array<i32>} : memref<53248xi32, #tpu.memory_space<vmem>>, vector<16xi32>,
        tpu.vector_store_idx %arg5[%get3A_102], %broadcast_in_dim3A_20 {add = true} : memref<40768xf32, #tpu.memory_space<vmem>>[vector<16xi32>], vector<16xf32>,
        %add3A_103 = arith.constant 240 : i32
        %add3A_104 = arith.addi %mul3A_29, %add3A_103 : i32
        %multiple_of3A_105 = tpu.assume_multiple %add3A_104, 16 : i32
        %get3A_106 = arith.index_cast %multiple_of3A_105 : i32 to index
        %get3A_107 = tpu.vector_load %arg4[%get3A_106] {strides = array<i32>} : memref<53248xi32, #tpu.memory_space<vmem>>, vector<16xi32>,
        tpu.vector_store_idx %arg5[%get3A_107], %broadcast_in_dim3A_20 {add = true} : memref<40768xf32, #tpu.memory_space<vmem>>[vector<16xi32>], vector<16xf32>,
        %add3A_108 = arith.constant 256 : i32
        %add3A_109 = arith.addi %mul3A_29, %add3A_108 : i32
        %multiple_of3A_110 = tpu.assume_multiple %add3A_109, 16 : i32
        %get3A_111 = arith.index_cast %multiple_of3A_110 : i32 to index
        %get3A_112 = tpu.vector_load %arg4[%get3A_111] {strides = array<i32>} : memref<53248xi32, #tpu.memory_space<vmem>>, vector<16xi32>,
        tpu.vector_store_idx %arg5[%get3A_112], %broadcast_in_dim3A_20 {add = true} : memref<40768xf32, #tpu.memory_space<vmem>>[vector<16xi32>], vector<16xf32>,
        %add3A_113 = arith.constant 272 : i32
        %add3A_114 = arith.addi %mul3A_29, %add3A_113 : i32
        %multiple_of3A_115 = tpu.assume_multiple %add3A_114, 16 : i32
        %get3A_116 = arith.index_cast %multiple_of3A_115 : i32 to index
        %get3A_117 = tpu.vector_load %arg4[%get3A_116] {strides = array<i32>} : memref<53248xi32, #tpu.memory_space<vmem>>, vector<16xi32>,
        tpu.vector_store_idx %arg5[%get3A_117], %broadcast_in_dim3A_20 {add = true} : memref<40768xf32, #tpu.memory_space<vmem>>[vector<16xi32>], vector<16xf32>,
        %add3A_118 = arith.constant 288 : i32
        %add3A_119 = arith.addi %mul3A_29, %add3A_118 : i32
        %multiple_of3A_120 = tpu.assume_multiple %add3A_119, 16 : i32
        %get3A_121 = arith.index_cast %multiple_of3A_120 : i32 to index
        %get3A_122 = tpu.vector_load %arg4[%get3A_121] {strides = array<i32>} : memref<53248xi32, #tpu.memory_space<vmem>>, vector<16xi32>,
        tpu.vector_store_idx %arg5[%get3A_122], %broadcast_in_dim3A_20 {add = true} : memref<40768xf32, #tpu.memory_space<vmem>>[vector<16xi32>], vector<16xf32>,
        %add3A_123 = arith.constant 304 : i32
        %add3A_124 = arith.addi %mul3A_29, %add3A_123 : i32
        %multiple_of3A_125 = tpu.assume_multiple %add3A_124, 16 : i32
        %get3A_126 = arith.index_cast %multiple_of3A_125 : i32 to index
        %get3A_127 = tpu.vector_load %arg4[%get3A_126] {strides = array<i32>} : memref<53248xi32, #tpu.memory_space<vmem>>, vector<16xi32>,
        tpu.vector_store_idx %arg5[%get3A_127], %broadcast_in_dim3A_20 {add = true} : memref<40768xf32, #tpu.memory_space<vmem>>[vector<16xi32>], vector<16xf32>,
        %add3A_128 = arith.constant 320 : i32
        %add3A_129 = arith.addi %mul3A_29, %add3A_128 : i32
        %multiple_of3A_130 = tpu.assume_multiple %add3A_129, 16 : i32
        %get3A_131 = arith.index_cast %multiple_of3A_130 : i32 to index
        %get3A_132 = tpu.vector_load %arg4[%get3A_131] {strides = array<i32>} : memref<53248xi32, #tpu.memory_space<vmem>>, vector<16xi32>,
        tpu.vector_store_idx %arg5[%get3A_132], %broadcast_in_dim3A_20 {add = true} : memref<40768xf32, #tpu.memory_space<vmem>>[vector<16xi32>], vector<16xf32>,
        %add3A_133 = arith.constant 336 : i32
        %add3A_134 = arith.addi %mul3A_29, %add3A_133 : i32
        %multiple_of3A_135 = tpu.assume_multiple %add3A_134, 16 : i32
        %get3A_136 = arith.index_cast %multiple_of3A_135 : i32 to index
        %get3A_137 = tpu.vector_load %arg4[%get3A_136] {strides = array<i32>} : memref<53248xi32, #tpu.memory_space<vmem>>, vector<16xi32>,
        tpu.vector_store_idx %arg5[%get3A_137], %broadcast_in_dim3A_20 {add = true} : memref<40768xf32, #tpu.memory_space<vmem>>[vector<16xi32>], vector<16xf32>,
        %add3A_138 = arith.constant 352 : i32
        %add3A_139 = arith.addi %mul3A_29, %add3A_138 : i32
        %multiple_of3A_140 = tpu.assume_multiple %add3A_139, 16 : i32
        %get3A_141 = arith.index_cast %multiple_of3A_140 : i32 to index
        %get3A_142 = tpu.vector_load %arg4[%get3A_141] {strides = array<i32>} : memref<53248xi32, #tpu.memory_space<vmem>>, vector<16xi32>,
        tpu.vector_store_idx %arg5[%get3A_142], %broadcast_in_dim3A_20 {add = true} : memref<40768xf32, #tpu.memory_space<vmem>>[vector<16xi32>], vector<16xf32>,
        %add3A_143 = arith.constant 368 : i32
        %add3A_144 = arith.addi %mul3A_29, %add3A_143 : i32
        %multiple_of3A_145 = tpu.assume_multiple %add3A_144, 16 : i32
        %get3A_146 = arith.index_cast %multiple_of3A_145 : i32 to index
        %get3A_147 = tpu.vector_load %arg4[%get3A_146] {strides = array<i32>} : memref<53248xi32, #tpu.memory_space<vmem>>, vector<16xi32>,
        tpu.vector_store_idx %arg5[%get3A_147], %broadcast_in_dim3A_20 {add = true} : memref<40768xf32, #tpu.memory_space<vmem>>[vector<16xi32>], vector<16xf32>,
        %add3A_148 = arith.constant 384 : i32
        %add3A_149 = arith.addi %mul3A_29, %add3A_148 : i32
        %multiple_of3A_150 = tpu.assume_multiple %add3A_149, 16 : i32
        %get3A_151 = arith.index_cast %multiple_of3A_150 : i32 to index
        %get3A_152 = tpu.vector_load %arg4[%get3A_151] {strides = array<i32>} : memref<53248xi32, #tpu.memory_space<vmem>>, vector<16xi32>,
        tpu.vector_store_idx %arg5[%get3A_152], %broadcast_in_dim3A_20 {add = true} : memref<40768xf32, #tpu.memory_space<vmem>>[vector<16xi32>], vector<16xf32>,
        %add3A_153 = arith.constant 400 : i32
        %add3A_154 = arith.addi %mul3A_29, %add3A_153 : i32
        %multiple_of3A_155 = tpu.assume_multiple %add3A_154, 16 : i32
        %get3A_156 = arith.index_cast %multiple_of3A_155 : i32 to index
        %get3A_157 = tpu.vector_load %arg4[%get3A_156] {strides = array<i32>} : memref<53248xi32, #tpu.memory_space<vmem>>, vector<16xi32>,
        tpu.vector_store_idx %arg5[%get3A_157], %broadcast_in_dim3A_20 {add = true} : memref<40768xf32, #tpu.memory_space<vmem>>[vector<16xi32>], vector<16xf32>,
        %add3A_158 = arith.constant 416 : i32
        %add3A_159 = arith.addi %mul3A_29, %add3A_158 : i32
        %multiple_of3A_160 = tpu.assume_multiple %add3A_159, 16 : i32
        %get3A_161 = arith.index_cast %multiple_of3A_160 : i32 to index
        %get3A_162 = tpu.vector_load %arg4[%get3A_161] {strides = array<i32>} : memref<53248xi32, #tpu.memory_space<vmem>>, vector<16xi32>,
        tpu.vector_store_idx %arg5[%get3A_162], %broadcast_in_dim3A_20 {add = true} : memref<40768xf32, #tpu.memory_space<vmem>>[vector<16xi32>], vector<16xf32>,
        %add3A_163 = arith.constant 432 : i32
        %add3A_164 = arith.addi %mul3A_29, %add3A_163 : i32
        %multiple_of3A_165 = tpu.assume_multiple %add3A_164, 16 : i32
        %get3A_166 = arith.index_cast %multiple_of3A_165 : i32 to index
        %get3A_167 = tpu.vector_load %arg4[%get3A_166] {strides = array<i32>} : memref<53248xi32, #tpu.memory_space<vmem>>, vector<16xi32>,
        tpu.vector_store_idx %arg5[%get3A_167], %broadcast_in_dim3A_20 {add = true} : memref<40768xf32, #tpu.memory_space<vmem>>[vector<16xi32>], vector<16xf32>,
        %add3A_168 = arith.constant 448 : i32
        %add3A_169 = arith.addi %mul3A_29, %add3A_168 : i32
        %multiple_of3A_170 = tpu.assume_multiple %add3A_169, 16 : i32
        %get3A_171 = arith.index_cast %multiple_of3A_170 : i32 to index
        %get3A_172 = tpu.vector_load %arg4[%get3A_171] {strides = array<i32>} : memref<53248xi32, #tpu.memory_space<vmem>>, vector<16xi32>,
        tpu.vector_store_idx %arg5[%get3A_172], %broadcast_in_dim3A_20 {add = true} : memref<40768xf32, #tpu.memory_space<vmem>>[vector<16xi32>], vector<16xf32>,
        %add3A_173 = arith.constant 464 : i32
        %add3A_174 = arith.addi %mul3A_29, %add3A_173 : i32
        %multiple_of3A_175 = tpu.assume_multiple %add3A_174, 16 : i32
        %get3A_176 = arith.index_cast %multiple_of3A_175 : i32 to index
        %get3A_177 = tpu.vector_load %arg4[%get3A_176] {strides = array<i32>} : memref<53248xi32, #tpu.memory_space<vmem>>, vector<16xi32>,
        tpu.vector_store_idx %arg5[%get3A_177], %broadcast_in_dim3A_20 {add = true} : memref<40768xf32, #tpu.memory_space<vmem>>[vector<16xi32>], vector<16xf32>,
        %add3A_178 = arith.constant 480 : i32
        %add3A_179 = arith.addi %mul3A_29, %add3A_178 : i32
        %multiple_of3A_180 = tpu.assume_multiple %add3A_179, 16 : i32
        %get3A_181 = arith.index_cast %multiple_of3A_180 : i32 to index
        %get3A_182 = tpu.vector_load %arg4[%get3A_181] {strides = array<i32>} : memref<53248xi32, #tpu.memory_space<vmem>>, vector<16xi32>,
        tpu.vector_store_idx %arg5[%get3A_182], %broadcast_in_dim3A_20 {add = true} : memref<40768xf32, #tpu.memory_space<vmem>>[vector<16xi32>], vector<16xf32>,
        %add3A_183 = arith.constant 496 : i32
        %add3A_184 = arith.addi %mul3A_29, %add3A_183 : i32
        %multiple_of3A_185 = tpu.assume_multiple %add3A_184, 16 : i32
        %get3A_186 = arith.index_cast %multiple_of3A_185 : i32 to index
        %get3A_187 = tpu.vector_load %arg4[%get3A_186] {strides = array<i32>} : memref<53248xi32, #tpu.memory_space<vmem>>, vector<16xi32>,
        tpu.vector_store_idx %arg5[%get3A_187], %broadcast_in_dim3A_20 {add = true} : memref<40768xf32, #tpu.memory_space<vmem>>[vector<16xi32>], vector<16xf32>,
        %add3A_188 = arith.constant 512 : i32
        %add3A_189 = arith.addi %mul3A_29, %add3A_188 : i32
        %multiple_of3A_190 = tpu.assume_multiple %add3A_189, 16 : i32
        %get3A_191 = arith.index_cast %multiple_of3A_190 : i32 to index
        %get3A_192 = tpu.vector_load %arg4[%get3A_191] {strides = array<i32>} : memref<53248xi32, #tpu.memory_space<vmem>>, vector<16xi32>,
        tpu.vector_store_idx %arg5[%get3A_192], %broadcast_in_dim3A_20 {add = true} : memref<40768xf32, #tpu.memory_space<vmem>>[vector<16xi32>], vector<16xf32>,
        %add3A_193 = arith.constant 528 : i32
        %add3A_194 = arith.addi %mul3A_29, %add3A_193 : i32
        %multiple_of3A_195 = tpu.assume_multiple %add3A_194, 16 : i32
        %get3A_196 = arith.index_cast %multiple_of3A_195 : i32 to index
        %get3A_197 = tpu.vector_load %arg4[%get3A_196] {strides = array<i32>} : memref<53248xi32, #tpu.memory_space<vmem>>, vector<16xi32>,
        tpu.vector_store_idx %arg5[%get3A_197], %broadcast_in_dim3A_20 {add = true} : memref<40768xf32, #tpu.memory_space<vmem>>[vector<16xi32>], vector<16xf32>,
        %add3A_198 = arith.constant 544 : i32
        %add3A_199 = arith.addi %mul3A_29, %add3A_198 : i32
        %multiple_of3A_200 = tpu.assume_multiple %add3A_199, 16 : i32
        %get3A_201 = arith.index_cast %multiple_of3A_200 : i32 to index
        %get3A_202 = tpu.vector_load %arg4[%get3A_201] {strides = array<i32>} : memref<53248xi32, #tpu.memory_space<vmem>>, vector<16xi32>,
        tpu.vector_store_idx %arg5[%get3A_202], %broadcast_in_dim3A_20 {add = true} : memref<40768xf32, #tpu.memory_space<vmem>>[vector<16xi32>], vector<16xf32>,
        %add3A_203 = arith.constant 560 : i32
        %add3A_204 = arith.addi %mul3A_29, %add3A_203 : i32
        %multiple_of3A_205 = tpu.assume_multiple %add3A_204, 16 : i32
        %get3A_206 = arith.index_cast %multiple_of3A_205 : i32 to index
        %get3A_207 = tpu.vector_load %arg4[%get3A_206] {strides = array<i32>} : memref<53248xi32, #tpu.memory_space<vmem>>, vector<16xi32>,
        tpu.vector_store_idx %arg5[%get3A_207], %broadcast_in_dim3A_20 {add = true} : memref<40768xf32, #tpu.memory_space<vmem>>[vector<16xi32>], vector<16xf32>,
        %add3A_208 = arith.constant 576 : i32
        %add3A_209 = arith.addi %mul3A_29, %add3A_208 : i32
        %multiple_of3A_210 = tpu.assume_multiple %add3A_209, 16 : i32
        %get3A_211 = arith.index_cast %multiple_of3A_210 : i32 to index
        %get3A_212 = tpu.vector_load %arg4[%get3A_211] {strides = array<i32>} : memref<53248xi32, #tpu.memory_space<vmem>>, vector<16xi32>,
        tpu.vector_store_idx %arg5[%get3A_212], %broadcast_in_dim3A_20 {add = true} : memref<40768xf32, #tpu.memory_space<vmem>>[vector<16xi32>], vector<16xf32>,
        %add3A_213 = arith.constant 592 : i32
        %add3A_214 = arith.addi %mul3A_29, %add3A_213 : i32
        %multiple_of3A_215 = tpu.assume_multiple %add3A_214, 16 : i32
        %get3A_216 = arith.index_cast %multiple_of3A_215 : i32 to index
        %get3A_217 = tpu.vector_load %arg4[%get3A_216] {strides = array<i32>} : memref<53248xi32, #tpu.memory_space<vmem>>, vector<16xi32>,
        tpu.vector_store_idx %arg5[%get3A_217], %broadcast_in_dim3A_20 {add = true} : memref<40768xf32, #tpu.memory_space<vmem>>[vector<16xi32>], vector<16xf32>,
        %add3A_218 = arith.constant 608 : i32
        %add3A_219 = arith.addi %mul3A_29, %add3A_218 : i32
        %multiple_of3A_220 = tpu.assume_multiple %add3A_219, 16 : i32
        %get3A_221 = arith.index_cast %multiple_of3A_220 : i32 to index
        %get3A_222 = tpu.vector_load %arg4[%get3A_221] {strides = array<i32>} : memref<53248xi32, #tpu.memory_space<vmem>>, vector<16xi32>,
        tpu.vector_store_idx %arg5[%get3A_222], %broadcast_in_dim3A_20 {add = true} : memref<40768xf32, #tpu.memory_space<vmem>>[vector<16xi32>], vector<16xf32>,
        %add3A_223 = arith.constant 624 : i32
        %add3A_224 = arith.addi %mul3A_29, %add3A_223 : i32
        %multiple_of3A_225 = tpu.assume_multiple %add3A_224, 16 : i32
        %get3A_226 = arith.index_cast %multiple_of3A_225 : i32 to index
        %get3A_227 = tpu.vector_load %arg4[%get3A_226] {strides = array<i32>} : memref<53248xi32, #tpu.memory_space<vmem>>, vector<16xi32>,
        tpu.vector_store_idx %arg5[%get3A_227], %broadcast_in_dim3A_20 {add = true} : memref<40768xf32, #tpu.memory_space<vmem>>[vector<16xi32>], vector<16xf32>,
        %add3A_228 = arith.constant 640 : i32
        %add3A_229 = arith.addi %mul3A_29, %add3A_228 : i32
        %multiple_of3A_230 = tpu.assume_multiple %add3A_229, 16 : i32
        %get3A_231 = arith.index_cast %multiple_of3A_230 : i32 to index
        %get3A_232 = tpu.vector_load %arg4[%get3A_231] {strides = array<i32>} : memref<53248xi32, #tpu.memory_space<vmem>>, vector<16xi32>,
        tpu.vector_store_idx %arg5[%get3A_232], %broadcast_in_dim3A_20 {add = true} : memref<40768xf32, #tpu.memory_space<vmem>>[vector<16xi32>], vector<16xf32>,
        %add3A_233 = arith.constant 656 : i32
        %add3A_234 = arith.addi %mul3A_29, %add3A_233 : i32
        %multiple_of3A_235 = tpu.assume_multiple %add3A_234, 16 : i32
        %get3A_236 = arith.index_cast %multiple_of3A_235 : i32 to index
        %get3A_237 = tpu.vector_load %arg4[%get3A_236] {strides = array<i32>} : memref<53248xi32, #tpu.memory_space<vmem>>, vector<16xi32>,
        tpu.vector_store_idx %arg5[%get3A_237], %broadcast_in_dim3A_20 {add = true} : memref<40768xf32, #tpu.memory_space<vmem>>[vector<16xi32>], vector<16xf32>,
        %add3A_238 = arith.constant 672 : i32
        %add3A_239 = arith.addi %mul3A_29, %add3A_238 : i32
        %multiple_of3A_240 = tpu.assume_multiple %add3A_239, 16 : i32
        %get3A_241 = arith.index_cast %multiple_of3A_240 : i32 to index
        %get3A_242 = tpu.vector_load %arg4[%get3A_241] {strides = array<i32>} : memref<53248xi32, #tpu.memory_space<vmem>>, vector<16xi32>,
        tpu.vector_store_idx %arg5[%get3A_242], %broadcast_in_dim3A_20 {add = true} : memref<40768xf32, #tpu.memory_space<vmem>>[vector<16xi32>], vector<16xf32>,
        %add3A_243 = arith.constant 688 : i32
        %add3A_244 = arith.addi %mul3A_29, %add3A_243 : i32
        %multiple_of3A_245 = tpu.assume_multiple %add3A_244, 16 : i32
        %get3A_246 = arith.index_cast %multiple_of3A_245 : i32 to index
        %get3A_247 = tpu.vector_load %arg4[%get3A_246] {strides = array<i32>} : memref<53248xi32, #tpu.memory_space<vmem>>, vector<16xi32>,
        tpu.vector_store_idx %arg5[%get3A_247], %broadcast_in_dim3A_20 {add = true} : memref<40768xf32, #tpu.memory_space<vmem>>[vector<16xi32>], vector<16xf32>,
        %add3A_248 = arith.constant 704 : i32
        %add3A_249 = arith.addi %mul3A_29, %add3A_248 : i32
        %multiple_of3A_250 = tpu.assume_multiple %add3A_249, 16 : i32
        %get3A_251 = arith.index_cast %multiple_of3A_250 : i32 to index
        %get3A_252 = tpu.vector_load %arg4[%get3A_251] {strides = array<i32>} : memref<53248xi32, #tpu.memory_space<vmem>>, vector<16xi32>,
        tpu.vector_store_idx %arg5[%get3A_252], %broadcast_in_dim3A_20 {add = true} : memref<40768xf32, #tpu.memory_space<vmem>>[vector<16xi32>], vector<16xf32>,
        %add3A_253 = arith.constant 720 : i32
        %add3A_254 = arith.addi %mul3A_29, %add3A_253 : i32
        %multiple_of3A_255 = tpu.assume_multiple %add3A_254, 16 : i32
        %get3A_256 = arith.index_cast %multiple_of3A_255 : i32 to index
        %get3A_257 = tpu.vector_load %arg4[%get3A_256] {strides = array<i32>} : memref<53248xi32, #tpu.memory_space<vmem>>, vector<16xi32>,
        tpu.vector_store_idx %arg5[%get3A_257], %broadcast_in_dim3A_20 {add = true} : memref<40768xf32, #tpu.memory_space<vmem>>[vector<16xi32>], vector<16xf32>,
        %add3A_258 = arith.constant 736 : i32
        %add3A_259 = arith.addi %mul3A_29, %add3A_258 : i32
        %multiple_of3A_260 = tpu.assume_multiple %add3A_259, 16 : i32
        %get3A_261 = arith.index_cast %multiple_of3A_260 : i32 to index
        %get3A_262 = tpu.vector_load %arg4[%get3A_261] {strides = array<i32>} : memref<53248xi32, #tpu.memory_space<vmem>>, vector<16xi32>,
        tpu.vector_store_idx %arg5[%get3A_262], %broadcast_in_dim3A_20 {add = true} : memref<40768xf32, #tpu.memory_space<vmem>>[vector<16xi32>], vector<16xf32>,
        %add3A_263 = arith.constant 752 : i32
        %add3A_264 = arith.addi %mul3A_29, %add3A_263 : i32
        %multiple_of3A_265 = tpu.assume_multiple %add3A_264, 16 : i32
        %get3A_266 = arith.index_cast %multiple_of3A_265 : i32 to index
        %get3A_267 = tpu.vector_load %arg4[%get3A_266] {strides = array<i32>} : memref<53248xi32, #tpu.memory_space<vmem>>, vector<16xi32>,
        tpu.vector_store_idx %arg5[%get3A_267], %broadcast_in_dim3A_20 {add = true} : memref<40768xf32, #tpu.memory_space<vmem>>[vector<16xi32>], vector<16xf32>,
        %add3A_268 = arith.constant 768 : i32
        %add3A_269 = arith.addi %mul3A_29, %add3A_268 : i32
        %multiple_of3A_270 = tpu.assume_multiple %add3A_269, 16 : i32
        %get3A_271 = arith.index_cast %multiple_of3A_270 : i32 to index
        %get3A_272 = tpu.vector_load %arg4[%get3A_271] {strides = array<i32>} : memref<53248xi32, #tpu.memory_space<vmem>>, vector<16xi32>,
        tpu.vector_store_idx %arg5[%get3A_272], %broadcast_in_dim3A_20 {add = true} : memref<40768xf32, #tpu.memory_space<vmem>>[vector<16xi32>], vector<16xf32>,
        %add3A_273 = arith.constant 784 : i32
        %add3A_274 = arith.addi %mul3A_29, %add3A_273 : i32
        %multiple_of3A_275 = tpu.assume_multiple %add3A_274, 16 : i32
        %get3A_276 = arith.index_cast %multiple_of3A_275 : i32 to index
        %get3A_277 = tpu.vector_load %arg4[%get3A_276] {strides = array<i32>} : memref<53248xi32, #tpu.memory_space<vmem>>, vector<16xi32>,
        tpu.vector_store_idx %arg5[%get3A_277], %broadcast_in_dim3A_20 {add = true} : memref<40768xf32, #tpu.memory_space<vmem>>[vector<16xi32>], vector<16xf32>,
        %add3A_278 = arith.constant 800 : i32
        %add3A_279 = arith.addi %mul3A_29, %add3A_278 : i32
        %multiple_of3A_280 = tpu.assume_multiple %add3A_279, 16 : i32
        %get3A_281 = arith.index_cast %multiple_of3A_280 : i32 to index
        %get3A_282 = tpu.vector_load %arg4[%get3A_281] {strides = array<i32>} : memref<53248xi32, #tpu.memory_space<vmem>>, vector<16xi32>,
        tpu.vector_store_idx %arg5[%get3A_282], %broadcast_in_dim3A_20 {add = true} : memref<40768xf32, #tpu.memory_space<vmem>>[vector<16xi32>], vector<16xf32>,
        %add3A_283 = arith.constant 816 : i32
        %add3A_284 = arith.addi %mul3A_29, %add3A_283 : i32
        %multiple_of3A_285 = tpu.assume_multiple %add3A_284, 16 : i32
        %get3A_286 = arith.index_cast %multiple_of3A_285 : i32 to index
        %get3A_287 = tpu.vector_load %arg4[%get3A_286] {strides = array<i32>} : memref<53248xi32, #tpu.memory_space<vmem>>, vector<16xi32>,
        tpu.vector_store_idx %arg5[%get3A_287], %broadcast_in_dim3A_20 {add = true} : memref<40768xf32, #tpu.memory_space<vmem>>[vector<16xi32>], vector<16xf32>,
        %add3A_288 = arith.constant 832 : i32
        %add3A_289 = arith.addi %mul3A_29, %add3A_288 : i32
        %multiple_of3A_290 = tpu.assume_multiple %add3A_289, 16 : i32
        %get3A_291 = arith.index_cast %multiple_of3A_290 : i32 to index
        %get3A_292 = tpu.vector_load %arg4[%get3A_291] {strides = array<i32>} : memref<53248xi32, #tpu.memory_space<vmem>>, vector<16xi32>,
        tpu.vector_store_idx %arg5[%get3A_292], %broadcast_in_dim3A_20 {add = true} : memref<40768xf32, #tpu.memory_space<vmem>>[vector<16xi32>], vector<16xf32>,
        %add3A_293 = arith.constant 848 : i32
        %add3A_294 = arith.addi %mul3A_29, %add3A_293 : i32
        %multiple_of3A_295 = tpu.assume_multiple %add3A_294, 16 : i32
        %get3A_296 = arith.index_cast %multiple_of3A_295 : i32 to index
        %get3A_297 = tpu.vector_load %arg4[%get3A_296] {strides = array<i32>} : memref<53248xi32, #tpu.memory_space<vmem>>, vector<16xi32>,
        tpu.vector_store_idx %arg5[%get3A_297], %broadcast_in_dim3A_20 {add = true} : memref<40768xf32, #tpu.memory_space<vmem>>[vector<16xi32>], vector<16xf32>,
        %add3A_298 = arith.constant 864 : i32
        %add3A_299 = arith.addi %mul3A_29, %add3A_298 : i32
        %multiple_of3A_300 = tpu.assume_multiple %add3A_299, 16 : i32
        %get3A_301 = arith.index_cast %multiple_of3A_300 : i32 to index
        %get3A_302 = tpu.vector_load %arg4[%get3A_301] {strides = array<i32>} : memref<53248xi32, #tpu.memory_space<vmem>>, vector<16xi32>,
        tpu.vector_store_idx %arg5[%get3A_302], %broadcast_in_dim3A_20 {add = true} : memref<40768xf32, #tpu.memory_space<vmem>>[vector<16xi32>], vector<16xf32>,
        %add3A_303 = arith.constant 880 : i32
        %add3A_304 = arith.addi %mul3A_29, %add3A_303 : i32
        %multiple_of3A_305 = tpu.assume_multiple %add3A_304, 16 : i32
        %get3A_306 = arith.index_cast %multiple_of3A_305 : i32 to index
        %get3A_307 = tpu.vector_load %arg4[%get3A_306] {strides = array<i32>} : memref<53248xi32, #tpu.memory_space<vmem>>, vector<16xi32>,
        tpu.vector_store_idx %arg5[%get3A_307], %broadcast_in_dim3A_20 {add = true} : memref<40768xf32, #tpu.memory_space<vmem>>[vector<16xi32>], vector<16xf32>,
        %add3A_308 = arith.constant 896 : i32
        %add3A_309 = arith.addi %mul3A_29, %add3A_308 : i32
        %multiple_of3A_310 = tpu.assume_multiple %add3A_309, 16 : i32
        %get3A_311 = arith.index_cast %multiple_of3A_310 : i32 to index
        %get3A_312 = tpu.vector_load %arg4[%get3A_311] {strides = array<i32>} : memref<53248xi32, #tpu.memory_space<vmem>>, vector<16xi32>,
        tpu.vector_store_idx %arg5[%get3A_312], %broadcast_in_dim3A_20 {add = true} : memref<40768xf32, #tpu.memory_space<vmem>>[vector<16xi32>], vector<16xf32>,
        %add3A_313 = arith.constant 912 : i32
        %add3A_314 = arith.addi %mul3A_29, %add3A_313 : i32
        %multiple_of3A_315 = tpu.assume_multiple %add3A_314, 16 : i32
        %get3A_316 = arith.index_cast %multiple_of3A_315 : i32 to index
        %get3A_317 = tpu.vector_load %arg4[%get3A_316] {strides = array<i32>} : memref<53248xi32, #tpu.memory_space<vmem>>, vector<16xi32>,
        tpu.vector_store_idx %arg5[%get3A_317], %broadcast_in_dim3A_20 {add = true} : memref<40768xf32, #tpu.memory_space<vmem>>[vector<16xi32>], vector<16xf32>,
        %add3A_318 = arith.constant 928 : i32
        %add3A_319 = arith.addi %mul3A_29, %add3A_318 : i32
        %multiple_of3A_320 = tpu.assume_multiple %add3A_319, 16 : i32
        %get3A_321 = arith.index_cast %multiple_of3A_320 : i32 to index
        %get3A_322 = tpu.vector_load %arg4[%get3A_321] {strides = array<i32>} : memref<53248xi32, #tpu.memory_space<vmem>>, vector<16xi32>,
        tpu.vector_store_idx %arg5[%get3A_322], %broadcast_in_dim3A_20 {add = true} : memref<40768xf32, #tpu.memory_space<vmem>>[vector<16xi32>], vector<16xf32>,
        %add3A_323 = arith.constant 944 : i32
        %add3A_324 = arith.addi %mul3A_29, %add3A_323 : i32
        %multiple_of3A_325 = tpu.assume_multiple %add3A_324, 16 : i32
        %get3A_326 = arith.index_cast %multiple_of3A_325 : i32 to index
        %get3A_327 = tpu.vector_load %arg4[%get3A_326] {strides = array<i32>} : memref<53248xi32, #tpu.memory_space<vmem>>, vector<16xi32>,
        tpu.vector_store_idx %arg5[%get3A_327], %broadcast_in_dim3A_20 {add = true} : memref<40768xf32, #tpu.memory_space<vmem>>[vector<16xi32>], vector<16xf32>,
        %add3A_328 = arith.constant 960 : i32
        %add3A_329 = arith.addi %mul3A_29, %add3A_328 : i32
        %multiple_of3A_330 = tpu.assume_multiple %add3A_329, 16 : i32
        %get3A_331 = arith.index_cast %multiple_of3A_330 : i32 to index
        %get3A_332 = tpu.vector_load %arg4[%get3A_331] {strides = array<i32>} : memref<53248xi32, #tpu.memory_space<vmem>>, vector<16xi32>,
        tpu.vector_store_idx %arg5[%get3A_332], %broadcast_in_dim3A_20 {add = true} : memref<40768xf32, #tpu.memory_space<vmem>>[vector<16xi32>], vector<16xf32>,
        %add3A_333 = arith.constant 976 : i32
        %add3A_334 = arith.addi %mul3A_29, %add3A_333 : i32
        %multiple_of3A_335 = tpu.assume_multiple %add3A_334, 16 : i32
        %get3A_336 = arith.index_cast %multiple_of3A_335 : i32 to index
        %get3A_337 = tpu.vector_load %arg4[%get3A_336] {strides = array<i32>} : memref<53248xi32, #tpu.memory_space<vmem>>, vector<16xi32>,
        tpu.vector_store_idx %arg5[%get3A_337], %broadcast_in_dim3A_20 {add = true} : memref<40768xf32, #tpu.memory_space<vmem>>[vector<16xi32>], vector<16xf32>,
        %add3A_338 = arith.constant 992 : i32
        %add3A_339 = arith.addi %mul3A_29, %add3A_338 : i32
        %multiple_of3A_340 = tpu.assume_multiple %add3A_339, 16 : i32
        %get3A_341 = arith.index_cast %multiple_of3A_340 : i32 to index
        %get3A_342 = tpu.vector_load %arg4[%get3A_341] {strides = array<i32>} : memref<53248xi32, #tpu.memory_space<vmem>>, vector<16xi32>,
        tpu.vector_store_idx %arg5[%get3A_342], %broadcast_in_dim3A_20 {add = true} : memref<40768xf32, #tpu.memory_space<vmem>>[vector<16xi32>], vector<16xf32>,
        %add3A_343 = arith.constant 1008 : i32
        %add3A_344 = arith.addi %mul3A_29, %add3A_343 : i32
        %multiple_of3A_345 = tpu.assume_multiple %add3A_344, 16 : i32
        %get3A_346 = arith.index_cast %multiple_of3A_345 : i32 to index
        %get3A_347 = tpu.vector_load %arg4[%get3A_346] {strides = array<i32>} : memref<53248xi32, #tpu.memory_space<vmem>>, vector<16xi32>,
        tpu.vector_store_idx %arg5[%get3A_347], %broadcast_in_dim3A_20 {add = true} : memref<40768xf32, #tpu.memory_space<vmem>>[vector<16xi32>], vector<16xf32>,
        %add3A_348 = arith.constant 1024 : i32
        %add3A_349 = arith.addi %mul3A_29, %add3A_348 : i32
        %multiple_of3A_350 = tpu.assume_multiple %add3A_349, 16 : i32
        %get3A_351 = arith.index_cast %multiple_of3A_350 : i32 to index
        %get3A_352 = tpu.vector_load %arg4[%get3A_351] {strides = array<i32>} : memref<53248xi32, #tpu.memory_space<vmem>>, vector<16xi32>,
        tpu.vector_store_idx %arg5[%get3A_352], %broadcast_in_dim3A_20 {add = true} : memref<40768xf32, #tpu.memory_space<vmem>>[vector<16xi32>], vector<16xf32>,
        %add3A_353 = arith.constant 1040 : i32
        %add3A_354 = arith.addi %mul3A_29, %add3A_353 : i32
        %multiple_of3A_355 = tpu.assume_multiple %add3A_354, 16 : i32
        %get3A_356 = arith.index_cast %multiple_of3A_355 : i32 to index
        %get3A_357 = tpu.vector_load %arg4[%get3A_356] {strides = array<i32>} : memref<53248xi32, #tpu.memory_space<vmem>>, vector<16xi32>,
        tpu.vector_store_idx %arg5[%get3A_357], %broadcast_in_dim3A_20 {add = true} : memref<40768xf32, #tpu.memory_space<vmem>>[vector<16xi32>], vector<16xf32>,
        %add3A_358 = arith.constant 1056 : i32
        %add3A_359 = arith.addi %mul3A_29, %add3A_358 : i32
        %multiple_of3A_360 = tpu.assume_multiple %add3A_359, 16 : i32
        %get3A_361 = arith.index_cast %multiple_of3A_360 : i32 to index
        %get3A_362 = tpu.vector_load %arg4[%get3A_361] {strides = array<i32>} : memref<53248xi32, #tpu.memory_space<vmem>>, vector<16xi32>,
        tpu.vector_store_idx %arg5[%get3A_362], %broadcast_in_dim3A_20 {add = true} : memref<40768xf32, #tpu.memory_space<vmem>>[vector<16xi32>], vector<16xf32>,
        %add3A_363 = arith.constant 1072 : i32
        %add3A_364 = arith.addi %mul3A_29, %add3A_363 : i32
        %multiple_of3A_365 = tpu.assume_multiple %add3A_364, 16 : i32
        %get3A_366 = arith.index_cast %multiple_of3A_365 : i32 to index
        %get3A_367 = tpu.vector_load %arg4[%get3A_366] {strides = array<i32>} : memref<53248xi32, #tpu.memory_space<vmem>>, vector<16xi32>,
        tpu.vector_store_idx %arg5[%get3A_367], %broadcast_in_dim3A_20 {add = true} : memref<40768xf32, #tpu.memory_space<vmem>>[vector<16xi32>], vector<16xf32>,
        %add3A_368 = arith.constant 1088 : i32
        %add3A_369 = arith.addi %mul3A_29, %add3A_368 : i32
        %multiple_of3A_370 = tpu.assume_multiple %add3A_369, 16 : i32
        %get3A_371 = arith.index_cast %multiple_of3A_370 : i32 to index
        %get3A_372 = tpu.vector_load %arg4[%get3A_371] {strides = array<i32>} : memref<53248xi32, #tpu.memory_space<vmem>>, vector<16xi32>,
        tpu.vector_store_idx %arg5[%get3A_372], %broadcast_in_dim3A_20 {add = true} : memref<40768xf32, #tpu.memory_space<vmem>>[vector<16xi32>], vector<16xf32>,
        %add3A_373 = arith.constant 1104 : i32
        %add3A_374 = arith.addi %mul3A_29, %add3A_373 : i32
        %multiple_of3A_375 = tpu.assume_multiple %add3A_374, 16 : i32
        %get3A_376 = arith.index_cast %multiple_of3A_375 : i32 to index
        %get3A_377 = tpu.vector_load %arg4[%get3A_376] {strides = array<i32>} : memref<53248xi32, #tpu.memory_space<vmem>>, vector<16xi32>,
        tpu.vector_store_idx %arg5[%get3A_377], %broadcast_in_dim3A_20 {add = true} : memref<40768xf32, #tpu.memory_space<vmem>>[vector<16xi32>], vector<16xf32>,
        %add3A_378 = arith.constant 1120 : i32
        %add3A_379 = arith.addi %mul3A_29, %add3A_378 : i32
        %multiple_of3A_380 = tpu.assume_multiple %add3A_379, 16 : i32
        %get3A_381 = arith.index_cast %multiple_of3A_380 : i32 to index
        %get3A_382 = tpu.vector_load %arg4[%get3A_381] {strides = array<i32>} : memref<53248xi32, #tpu.memory_space<vmem>>, vector<16xi32>,
        tpu.vector_store_idx %arg5[%get3A_382], %broadcast_in_dim3A_20 {add = true} : memref<40768xf32, #tpu.memory_space<vmem>>[vector<16xi32>], vector<16xf32>,
        %add3A_383 = arith.constant 1136 : i32
        %add3A_384 = arith.addi %mul3A_29, %add3A_383 : i32
        %multiple_of3A_385 = tpu.assume_multiple %add3A_384, 16 : i32
        %get3A_386 = arith.index_cast %multiple_of3A_385 : i32 to index
        %get3A_387 = tpu.vector_load %arg4[%get3A_386] {strides = array<i32>} : memref<53248xi32, #tpu.memory_space<vmem>>, vector<16xi32>,
        tpu.vector_store_idx %arg5[%get3A_387], %broadcast_in_dim3A_20 {add = true} : memref<40768xf32, #tpu.memory_space<vmem>>[vector<16xi32>], vector<16xf32>,
        %add3A_388 = arith.constant 1152 : i32
        %add3A_389 = arith.addi %mul3A_29, %add3A_388 : i32
        %multiple_of3A_390 = tpu.assume_multiple %add3A_389, 16 : i32
        %get3A_391 = arith.index_cast %multiple_of3A_390 : i32 to index
        %get3A_392 = tpu.vector_load %arg4[%get3A_391] {strides = array<i32>} : memref<53248xi32, #tpu.memory_space<vmem>>, vector<16xi32>,
        tpu.vector_store_idx %arg5[%get3A_392], %broadcast_in_dim3A_20 {add = true} : memref<40768xf32, #tpu.memory_space<vmem>>[vector<16xi32>], vector<16xf32>,
        %add3A_393 = arith.constant 1168 : i32
        %add3A_394 = arith.addi %mul3A_29, %add3A_393 : i32
        %multiple_of3A_395 = tpu.assume_multiple %add3A_394, 16 : i32
        %get3A_396 = arith.index_cast %multiple_of3A_395 : i32 to index
        %get3A_397 = tpu.vector_load %arg4[%get3A_396] {strides = array<i32>} : memref<53248xi32, #tpu.memory_space<vmem>>, vector<16xi32>,
        tpu.vector_store_idx %arg5[%get3A_397], %broadcast_in_dim3A_20 {add = true} : memref<40768xf32, #tpu.memory_space<vmem>>[vector<16xi32>], vector<16xf32>,
        %add3A_398 = arith.constant 1184 : i32
        %add3A_399 = arith.addi %mul3A_29, %add3A_398 : i32
        %multiple_of3A_400 = tpu.assume_multiple %add3A_399, 16 : i32
        %get3A_401 = arith.index_cast %multiple_of3A_400 : i32 to index
        %get3A_402 = tpu.vector_load %arg4[%get3A_401] {strides = array<i32>} : memref<53248xi32, #tpu.memory_space<vmem>>, vector<16xi32>,
        tpu.vector_store_idx %arg5[%get3A_402], %broadcast_in_dim3A_20 {add = true} : memref<40768xf32, #tpu.memory_space<vmem>>[vector<16xi32>], vector<16xf32>,
        %add3A_403 = arith.constant 1200 : i32
        %add3A_404 = arith.addi %mul3A_29, %add3A_403 : i32
        %multiple_of3A_405 = tpu.assume_multiple %add3A_404, 16 : i32
        %get3A_406 = arith.index_cast %multiple_of3A_405 : i32 to index
        %get3A_407 = tpu.vector_load %arg4[%get3A_406] {strides = array<i32>} : memref<53248xi32, #tpu.memory_space<vmem>>, vector<16xi32>,
        tpu.vector_store_idx %arg5[%get3A_407], %broadcast_in_dim3A_20 {add = true} : memref<40768xf32, #tpu.memory_space<vmem>>[vector<16xi32>], vector<16xf32>,
        %add3A_408 = arith.constant 1216 : i32
        %add3A_409 = arith.addi %mul3A_29, %add3A_408 : i32
        %multiple_of3A_410 = tpu.assume_multiple %add3A_409, 16 : i32
        %get3A_411 = arith.index_cast %multiple_of3A_410 : i32 to index
        %get3A_412 = tpu.vector_load %arg4[%get3A_411] {strides = array<i32>} : memref<53248xi32, #tpu.memory_space<vmem>>, vector<16xi32>,
        tpu.vector_store_idx %arg5[%get3A_412], %broadcast_in_dim3A_20 {add = true} : memref<40768xf32, #tpu.memory_space<vmem>>[vector<16xi32>], vector<16xf32>,
        %add3A_413 = arith.constant 1232 : i32
        %add3A_414 = arith.addi %mul3A_29, %add3A_413 : i32
        %multiple_of3A_415 = tpu.assume_multiple %add3A_414, 16 : i32
        %get3A_416 = arith.index_cast %multiple_of3A_415 : i32 to index
        %get3A_417 = tpu.vector_load %arg4[%get3A_416] {strides = array<i32>} : memref<53248xi32, #tpu.memory_space<vmem>>, vector<16xi32>,
        tpu.vector_store_idx %arg5[%get3A_417], %broadcast_in_dim3A_20 {add = true} : memref<40768xf32, #tpu.memory_space<vmem>>[vector<16xi32>], vector<16xf32>,
        %add3A_418 = arith.constant 1248 : i32
        %add3A_419 = arith.addi %mul3A_29, %add3A_418 : i32
        %multiple_of3A_420 = tpu.assume_multiple %add3A_419, 16 : i32
        %get3A_421 = arith.index_cast %multiple_of3A_420 : i32 to index
        %get3A_422 = tpu.vector_load %arg4[%get3A_421] {strides = array<i32>} : memref<53248xi32, #tpu.memory_space<vmem>>, vector<16xi32>,
        tpu.vector_store_idx %arg5[%get3A_422], %broadcast_in_dim3A_20 {add = true} : memref<40768xf32, #tpu.memory_space<vmem>>[vector<16xi32>], vector<16xf32>,
        %add3A_423 = arith.constant 1264 : i32
        %add3A_424 = arith.addi %mul3A_29, %add3A_423 : i32
        %multiple_of3A_425 = tpu.assume_multiple %add3A_424, 16 : i32
        %get3A_426 = arith.index_cast %multiple_of3A_425 : i32 to index
        %get3A_427 = tpu.vector_load %arg4[%get3A_426] {strides = array<i32>} : memref<53248xi32, #tpu.memory_space<vmem>>, vector<16xi32>,
        tpu.vector_store_idx %arg5[%get3A_427], %broadcast_in_dim3A_20 {add = true} : memref<40768xf32, #tpu.memory_space<vmem>>[vector<16xi32>], vector<16xf32>,
        %add3A_428 = arith.constant 1280 : i32
        %add3A_429 = arith.addi %mul3A_29, %add3A_428 : i32
        %multiple_of3A_430 = tpu.assume_multiple %add3A_429, 16 : i32
        %get3A_431 = arith.index_cast %multiple_of3A_430 : i32 to index
        %get3A_432 = tpu.vector_load %arg4[%get3A_431] {strides = array<i32>} : memref<53248xi32, #tpu.memory_space<vmem>>, vector<16xi32>,
        tpu.vector_store_idx %arg5[%get3A_432], %broadcast_in_dim3A_20 {add = true} : memref<40768xf32, #tpu.memory_space<vmem>>[vector<16xi32>], vector<16xf32>,
        %add3A_433 = arith.constant 1296 : i32
        %add3A_434 = arith.addi %mul3A_29, %add3A_433 : i32
        %multiple_of3A_435 = tpu.assume_multiple %add3A_434, 16 : i32
        %get3A_436 = arith.index_cast %multiple_of3A_435 : i32 to index
        %get3A_437 = tpu.vector_load %arg4[%get3A_436] {strides = array<i32>} : memref<53248xi32, #tpu.memory_space<vmem>>, vector<16xi32>,
        tpu.vector_store_idx %arg5[%get3A_437], %broadcast_in_dim3A_20 {add = true} : memref<40768xf32, #tpu.memory_space<vmem>>[vector<16xi32>], vector<16xf32>,
        %add3A_438 = arith.constant 1312 : i32
        %add3A_439 = arith.addi %mul3A_29, %add3A_438 : i32
        %multiple_of3A_440 = tpu.assume_multiple %add3A_439, 16 : i32
        %get3A_441 = arith.index_cast %multiple_of3A_440 : i32 to index
        %get3A_442 = tpu.vector_load %arg4[%get3A_441] {strides = array<i32>} : memref<53248xi32, #tpu.memory_space<vmem>>, vector<16xi32>,
        tpu.vector_store_idx %arg5[%get3A_442], %broadcast_in_dim3A_20 {add = true} : memref<40768xf32, #tpu.memory_space<vmem>>[vector<16xi32>], vector<16xf32>,
        %add3A_443 = arith.constant 1328 : i32
        %add3A_444 = arith.addi %mul3A_29, %add3A_443 : i32
        %multiple_of3A_445 = tpu.assume_multiple %add3A_444, 16 : i32
        %get3A_446 = arith.index_cast %multiple_of3A_445 : i32 to index
        %get3A_447 = tpu.vector_load %arg4[%get3A_446] {strides = array<i32>} : memref<53248xi32, #tpu.memory_space<vmem>>, vector<16xi32>,
        tpu.vector_store_idx %arg5[%get3A_447], %broadcast_in_dim3A_20 {add = true} : memref<40768xf32, #tpu.memory_space<vmem>>[vector<16xi32>], vector<16xf32>,
        %add3A_448 = arith.constant 1344 : i32
        %add3A_449 = arith.addi %mul3A_29, %add3A_448 : i32
        %multiple_of3A_450 = tpu.assume_multiple %add3A_449, 16 : i32
        %get3A_451 = arith.index_cast %multiple_of3A_450 : i32 to index
        %get3A_452 = tpu.vector_load %arg4[%get3A_451] {strides = array<i32>} : memref<53248xi32, #tpu.memory_space<vmem>>, vector<16xi32>,
        tpu.vector_store_idx %arg5[%get3A_452], %broadcast_in_dim3A_20 {add = true} : memref<40768xf32, #tpu.memory_space<vmem>>[vector<16xi32>], vector<16xf32>,
        %add3A_453 = arith.constant 1360 : i32
        %add3A_454 = arith.addi %mul3A_29, %add3A_453 : i32
        %multiple_of3A_455 = tpu.assume_multiple %add3A_454, 16 : i32
        %get3A_456 = arith.index_cast %multiple_of3A_455 : i32 to index
        %get3A_457 = tpu.vector_load %arg4[%get3A_456] {strides = array<i32>} : memref<53248xi32, #tpu.memory_space<vmem>>, vector<16xi32>,
        tpu.vector_store_idx %arg5[%get3A_457], %broadcast_in_dim3A_20 {add = true} : memref<40768xf32, #tpu.memory_space<vmem>>[vector<16xi32>], vector<16xf32>,
        %add3A_458 = arith.constant 1376 : i32
        %add3A_459 = arith.addi %mul3A_29, %add3A_458 : i32
        %multiple_of3A_460 = tpu.assume_multiple %add3A_459, 16 : i32
        %get3A_461 = arith.index_cast %multiple_of3A_460 : i32 to index
        %get3A_462 = tpu.vector_load %arg4[%get3A_461] {strides = array<i32>} : memref<53248xi32, #tpu.memory_space<vmem>>, vector<16xi32>,
        tpu.vector_store_idx %arg5[%get3A_462], %broadcast_in_dim3A_20 {add = true} : memref<40768xf32, #tpu.memory_space<vmem>>[vector<16xi32>], vector<16xf32>,
        %add3A_463 = arith.constant 1392 : i32
        %add3A_464 = arith.addi %mul3A_29, %add3A_463 : i32
        %multiple_of3A_465 = tpu.assume_multiple %add3A_464, 16 : i32
        %get3A_466 = arith.index_cast %multiple_of3A_465 : i32 to index
        %get3A_467 = tpu.vector_load %arg4[%get3A_466] {strides = array<i32>} : memref<53248xi32, #tpu.memory_space<vmem>>, vector<16xi32>,
        tpu.vector_store_idx %arg5[%get3A_467], %broadcast_in_dim3A_20 {add = true} : memref<40768xf32, #tpu.memory_space<vmem>>[vector<16xi32>], vector<16xf32>,
        %add3A_468 = arith.constant 1408 : i32
        %add3A_469 = arith.addi %mul3A_29, %add3A_468 : i32
        %multiple_of3A_470 = tpu.assume_multiple %add3A_469, 16 : i32
        %get3A_471 = arith.index_cast %multiple_of3A_470 : i32 to index
        %get3A_472 = tpu.vector_load %arg4[%get3A_471] {strides = array<i32>} : memref<53248xi32, #tpu.memory_space<vmem>>, vector<16xi32>,
        tpu.vector_store_idx %arg5[%get3A_472], %broadcast_in_dim3A_20 {add = true} : memref<40768xf32, #tpu.memory_space<vmem>>[vector<16xi32>], vector<16xf32>,
        %add3A_473 = arith.constant 1424 : i32
        %add3A_474 = arith.addi %mul3A_29, %add3A_473 : i32
        %multiple_of3A_475 = tpu.assume_multiple %add3A_474, 16 : i32
        %get3A_476 = arith.index_cast %multiple_of3A_475 : i32 to index
        %get3A_477 = tpu.vector_load %arg4[%get3A_476] {strides = array<i32>} : memref<53248xi32, #tpu.memory_space<vmem>>, vector<16xi32>,
        tpu.vector_store_idx %arg5[%get3A_477], %broadcast_in_dim3A_20 {add = true} : memref<40768xf32, #tpu.memory_space<vmem>>[vector<16xi32>], vector<16xf32>,
        %add3A_478 = arith.constant 1440 : i32
        %add3A_479 = arith.addi %mul3A_29, %add3A_478 : i32
        %multiple_of3A_480 = tpu.assume_multiple %add3A_479, 16 : i32
        %get3A_481 = arith.index_cast %multiple_of3A_480 : i32 to index
        %get3A_482 = tpu.vector_load %arg4[%get3A_481] {strides = array<i32>} : memref<53248xi32, #tpu.memory_space<vmem>>, vector<16xi32>,
        tpu.vector_store_idx %arg5[%get3A_482], %broadcast_in_dim3A_20 {add = true} : memref<40768xf32, #tpu.memory_space<vmem>>[vector<16xi32>], vector<16xf32>,
        %add3A_483 = arith.constant 1456 : i32
        %add3A_484 = arith.addi %mul3A_29, %add3A_483 : i32
        %multiple_of3A_485 = tpu.assume_multiple %add3A_484, 16 : i32
        %get3A_486 = arith.index_cast %multiple_of3A_485 : i32 to index
        %get3A_487 = tpu.vector_load %arg4[%get3A_486] {strides = array<i32>} : memref<53248xi32, #tpu.memory_space<vmem>>, vector<16xi32>,
        tpu.vector_store_idx %arg5[%get3A_487], %broadcast_in_dim3A_20 {add = true} : memref<40768xf32, #tpu.memory_space<vmem>>[vector<16xi32>], vector<16xf32>,
        %add3A_488 = arith.constant 1472 : i32
        %add3A_489 = arith.addi %mul3A_29, %add3A_488 : i32
        %multiple_of3A_490 = tpu.assume_multiple %add3A_489, 16 : i32
        %get3A_491 = arith.index_cast %multiple_of3A_490 : i32 to index
        %get3A_492 = tpu.vector_load %arg4[%get3A_491] {strides = array<i32>} : memref<53248xi32, #tpu.memory_space<vmem>>, vector<16xi32>,
        tpu.vector_store_idx %arg5[%get3A_492], %broadcast_in_dim3A_20 {add = true} : memref<40768xf32, #tpu.memory_space<vmem>>[vector<16xi32>], vector<16xf32>,
        %add3A_493 = arith.constant 1488 : i32
        %add3A_494 = arith.addi %mul3A_29, %add3A_493 : i32
        %multiple_of3A_495 = tpu.assume_multiple %add3A_494, 16 : i32
        %get3A_496 = arith.index_cast %multiple_of3A_495 : i32 to index
        %get3A_497 = tpu.vector_load %arg4[%get3A_496] {strides = array<i32>} : memref<53248xi32, #tpu.memory_space<vmem>>, vector<16xi32>,
        tpu.vector_store_idx %arg5[%get3A_497], %broadcast_in_dim3A_20 {add = true} : memref<40768xf32, #tpu.memory_space<vmem>>[vector<16xi32>], vector<16xf32>,
        %add3A_498 = arith.constant 1504 : i32
        %add3A_499 = arith.addi %mul3A_29, %add3A_498 : i32
        %multiple_of3A_500 = tpu.assume_multiple %add3A_499, 16 : i32
        %get3A_501 = arith.index_cast %multiple_of3A_500 : i32 to index
        %get3A_502 = tpu.vector_load %arg4[%get3A_501] {strides = array<i32>} : memref<53248xi32, #tpu.memory_space<vmem>>, vector<16xi32>,
        tpu.vector_store_idx %arg5[%get3A_502], %broadcast_in_dim3A_20 {add = true} : memref<40768xf32, #tpu.memory_space<vmem>>[vector<16xi32>], vector<16xf32>,
        %add3A_503 = arith.constant 1520 : i32
        %add3A_504 = arith.addi %mul3A_29, %add3A_503 : i32
        %multiple_of3A_505 = tpu.assume_multiple %add3A_504, 16 : i32
        %get3A_506 = arith.index_cast %multiple_of3A_505 : i32 to index
        %get3A_507 = tpu.vector_load %arg4[%get3A_506] {strides = array<i32>} : memref<53248xi32, #tpu.memory_space<vmem>>, vector<16xi32>,
        tpu.vector_store_idx %arg5[%get3A_507], %broadcast_in_dim3A_20 {add = true} : memref<40768xf32, #tpu.memory_space<vmem>>[vector<16xi32>], vector<16xf32>,
        %add3A_508 = arith.constant 1536 : i32
        %add3A_509 = arith.addi %mul3A_29, %add3A_508 : i32
        %multiple_of3A_510 = tpu.assume_multiple %add3A_509, 16 : i32
        %get3A_511 = arith.index_cast %multiple_of3A_510 : i32 to index
        %get3A_512 = tpu.vector_load %arg4[%get3A_511] {strides = array<i32>} : memref<53248xi32, #tpu.memory_space<vmem>>, vector<16xi32>,
        tpu.vector_store_idx %arg5[%get3A_512], %broadcast_in_dim3A_20 {add = true} : memref<40768xf32, #tpu.memory_space<vmem>>[vector<16xi32>], vector<16xf32>,
        %add3A_513 = arith.constant 1552 : i32
        %add3A_514 = arith.addi %mul3A_29, %add3A_513 : i32
        %multiple_of3A_515 = tpu.assume_multiple %add3A_514, 16 : i32
        %get3A_516 = arith.index_cast %multiple_of3A_515 : i32 to index
        %get3A_517 = tpu.vector_load %arg4[%get3A_516] {strides = array<i32>} : memref<53248xi32, #tpu.memory_space<vmem>>, vector<16xi32>,
        tpu.vector_store_idx %arg5[%get3A_517], %broadcast_in_dim3A_20 {add = true} : memref<40768xf32, #tpu.memory_space<vmem>>[vector<16xi32>], vector<16xf32>,
        %add3A_518 = arith.constant 1568 : i32
        %add3A_519 = arith.addi %mul3A_29, %add3A_518 : i32
        %multiple_of3A_520 = tpu.assume_multiple %add3A_519, 16 : i32
        %get3A_521 = arith.index_cast %multiple_of3A_520 : i32 to index
        %get3A_522 = tpu.vector_load %arg4[%get3A_521] {strides = array<i32>} : memref<53248xi32, #tpu.memory_space<vmem>>, vector<16xi32>,
        tpu.vector_store_idx %arg5[%get3A_522], %broadcast_in_dim3A_20 {add = true} : memref<40768xf32, #tpu.memory_space<vmem>>[vector<16xi32>], vector<16xf32>,
        %add3A_523 = arith.constant 1584 : i32
        %add3A_524 = arith.addi %mul3A_29, %add3A_523 : i32
        %multiple_of3A_525 = tpu.assume_multiple %add3A_524, 16 : i32
        %get3A_526 = arith.index_cast %multiple_of3A_525 : i32 to index
        %get3A_527 = tpu.vector_load %arg4[%get3A_526] {strides = array<i32>} : memref<53248xi32, #tpu.memory_space<vmem>>, vector<16xi32>,
        tpu.vector_store_idx %arg5[%get3A_527], %broadcast_in_dim3A_20 {add = true} : memref<40768xf32, #tpu.memory_space<vmem>>[vector<16xi32>], vector<16xf32>,
        %add3A_528 = arith.constant 1600 : i32
        %add3A_529 = arith.addi %mul3A_29, %add3A_528 : i32
        %multiple_of3A_530 = tpu.assume_multiple %add3A_529, 16 : i32
        %get3A_531 = arith.index_cast %multiple_of3A_530 : i32 to index
        %get3A_532 = tpu.vector_load %arg4[%get3A_531] {strides = array<i32>} : memref<53248xi32, #tpu.memory_space<vmem>>, vector<16xi32>,
        tpu.vector_store_idx %arg5[%get3A_532], %broadcast_in_dim3A_20 {add = true} : memref<40768xf32, #tpu.memory_space<vmem>>[vector<16xi32>], vector<16xf32>,
        %add3A_533 = arith.constant 1616 : i32
        %add3A_534 = arith.addi %mul3A_29, %add3A_533 : i32
        %multiple_of3A_535 = tpu.assume_multiple %add3A_534, 16 : i32
        %get3A_536 = arith.index_cast %multiple_of3A_535 : i32 to index
        %get3A_537 = tpu.vector_load %arg4[%get3A_536] {strides = array<i32>} : memref<53248xi32, #tpu.memory_space<vmem>>, vector<16xi32>,
        tpu.vector_store_idx %arg5[%get3A_537], %broadcast_in_dim3A_20 {add = true} : memref<40768xf32, #tpu.memory_space<vmem>>[vector<16xi32>], vector<16xf32>,
        %add3A_538 = arith.constant 1632 : i32
        %add3A_539 = arith.addi %mul3A_29, %add3A_538 : i32
        %multiple_of3A_540 = tpu.assume_multiple %add3A_539, 16 : i32
        %get3A_541 = arith.index_cast %multiple_of3A_540 : i32 to index
        %get3A_542 = tpu.vector_load %arg4[%get3A_541] {strides = array<i32>} : memref<53248xi32, #tpu.memory_space<vmem>>, vector<16xi32>,
        tpu.vector_store_idx %arg5[%get3A_542], %broadcast_in_dim3A_20 {add = true} : memref<40768xf32, #tpu.memory_space<vmem>>[vector<16xi32>], vector<16xf32>,
        %add3A_543 = arith.constant 1648 : i32
        %add3A_544 = arith.addi %mul3A_29, %add3A_543 : i32
        %multiple_of3A_545 = tpu.assume_multiple %add3A_544, 16 : i32
        %get3A_546 = arith.index_cast %multiple_of3A_545 : i32 to index
        %get3A_547 = tpu.vector_load %arg4[%get3A_546] {strides = array<i32>} : memref<53248xi32, #tpu.memory_space<vmem>>, vector<16xi32>,
        tpu.vector_store_idx %arg5[%get3A_547], %broadcast_in_dim3A_20 {add = true} : memref<40768xf32, #tpu.memory_space<vmem>>[vector<16xi32>], vector<16xf32>,
      }
      %scan3A_26 = arith.constant 32 : i32
      "tpu.region"() ({
        %run_scoped3A = tpu.sem_alloc : memref<!tpu.dma_semaphore, #tpu.memory_space<semaphore_mem>>
        %dma_start3A_27 = arith.constant 0 : i32
        %dma_start3A_28 = tpu.memref_slice %arg3[%add3A, %dma_start3A_27] : memref<16x40768xf32, #tpu.memory_space<hbm>> -> memref<1x40768xf32, #tpu.memory_space<hbm>>
        %dma_start3A_29 = tpu.memref_squeeze %dma_start3A_28 : memref<1x40768xf32, #tpu.memory_space<hbm>> -> memref<40768xf32, #tpu.memory_space<hbm>>
        %dma_start3A_30 = arith.constant 0 : i32
        %dma_start3A_31 = tpu.memref_slice %arg3[%add3A, %dma_start3A_30] : memref<16x40768xf32, #tpu.memory_space<hbm>> -> memref<1x40768xf32, #tpu.memory_space<hbm>>
        %dma_start3A_32 = tpu.memref_squeeze %dma_start3A_31 : memref<1x40768xf32, #tpu.memory_space<hbm>> -> memref<40768xf32, #tpu.memory_space<hbm>>
        tpu.enqueue_dma source(%arg5 : memref<40768xf32, #tpu.memory_space<vmem>>) target(%dma_start3A_32 : memref<40768xf32, #tpu.memory_space<hbm>>) target_semaphore(%run_scoped3A : memref<!tpu.dma_semaphore, #tpu.memory_space<semaphore_mem>>)
        %dma_wait3A_33 = arith.constant 0 : i32
        %dma_wait3A_34 = tpu.memref_slice %arg3[%add3A, %dma_wait3A_33] : memref<16x40768xf32, #tpu.memory_space<hbm>> -> memref<1x40768xf32, #tpu.memory_space<hbm>>
        %dma_wait3A_35 = tpu.memref_squeeze %dma_wait3A_34 : memref<1x40768xf32, #tpu.memory_space<hbm>> -> memref<40768xf32, #tpu.memory_space<hbm>>
        %dma_wait3A_36 = arith.constant 0 : i32
        %dma_wait3A_37 = tpu.memref_slice %arg3[%add3A, %dma_wait3A_36] : memref<16x40768xf32, #tpu.memory_space<hbm>> -> memref<1x40768xf32, #tpu.memory_space<hbm>>
        %dma_wait3A_38 = tpu.memref_squeeze %dma_wait3A_37 : memref<1x40768xf32, #tpu.memory_space<hbm>> -> memref<40768xf32, #tpu.memory_space<hbm>>
        tpu.wait_dma2 semaphore(%run_scoped3A : memref<!tpu.dma_semaphore, #tpu.memory_space<semaphore_mem>>) src(%arg5 : memref<40768xf32, #tpu.memory_space<vmem>>) dst(%dma_wait3A_38 : memref<40768xf32, #tpu.memory_space<hbm>>)
        tpu.yield
      }) : () -> ()
    } else {
    }
    return
  }
}

module attributes {stable_mosaic.version = 14 : i64} {
  func.func @_tc_body(%arg0: i32, %arg1: memref<8x1x196xf32, #tpu.memory_space<vmem>>, %arg2: memref<8x256x196xf32, #tpu.memory_space<vmem>>, %arg3: memref<8x256x208xi32, #tpu.memory_space<vmem>>) attributes {dimension_semantics = [#tpu.dimension_semantics<arbitrary>], iteration_bounds = array<i64: 2>, scalar_prefetch = 0 : i64, scratch_operands = 0 : i64, tpu.core_type = #tpu.core_type<tc>, window_params = [{transform_indices = @transform_0, window_bounds = array<i64: 8, 1, 196>}, {transform_indices = @transform_1, window_bounds = array<i64: 8, 256, 196>}, {transform_indices = @transform_2, window_bounds = array<i64: 8, 256, 208>}]} {
    %get3A = arith.constant 0 : index
    %get3A_0 = arith.constant 0 : index
    %get3A_1 = arith.constant 0 : index
    %get3A_2 = vector.load %arg1[%get3A, %get3A_0, %get3A_1] : memref<8x1x196xf32, #tpu.memory_space<vmem>>, vector<8x1x196xf32>
    %get3A_3 = arith.constant 0 : index
    %get3A_4 = arith.constant 0 : index
    %get3A_5 = arith.constant 0 : index
    %get3A_6 = vector.load %arg2[%get3A_3, %get3A_4, %get3A_5] : memref<8x256x196xf32, #tpu.memory_space<vmem>>, vector<8x256x196xf32>
    %mul3A = arith.constant 5.000000e-02 : f32
    %mul3A_7 = vector.broadcast %mul3A : f32 to vector<8x256x196xf32>
    %mul3A_8 = arith.mulf %mul3A_7, %get3A_6 : vector<8x256x196xf32>
    %add3A = vector.broadcast %get3A_2 : vector<8x1x196xf32> to vector<8x256x196xf32>
    %add3A_9 = arith.addf %add3A, %mul3A_8 : vector<8x256x196xf32>
    %reshape3A = vector.shape_cast %add3A_9 : vector<8x256x196xf32> to vector<2048x196xf32>
    %transpose3A = tpu.transpose %reshape3A, [1, 0] : vector<2048x196xf32> -> vector<196x2048xf32>
    %bitcast_convert_type3A = tpu.bitcast %transpose3A : vector<196x2048xf32> -> vector<196x2048xi32>
    %ge3A = arith.constant 0 : i32
    %ge3A_10 = vector.broadcast %ge3A : i32 to vector<196x2048xi32>
    %ge3A_11 = arith.cmpi sge, %bitcast_convert_type3A, %ge3A_10 : vector<196x2048xi32>
    %xor3A = arith.constant 2147483647 : i32
    %xor3A_12 = vector.broadcast %xor3A : i32 to vector<196x2048xi32>
    %xor3A_13 = arith.xori %bitcast_convert_type3A, %xor3A_12 : vector<196x2048xi32>
    %select_n3A = arith.select %ge3A_11, %bitcast_convert_type3A, %xor3A_13 : vector<196x2048xi1>, vector<196x2048xi32>
    %broadcast_in_dim3A = arith.constant -2147483648 : i32
    %broadcast_in_dim3A_14 = vector.broadcast %broadcast_in_dim3A : i32 to vector<1x2048xi32>
    %scan3A = arith.constant 0 : i32
    %scan3A_15 = arith.constant 32 : i32
    %scan3A_16 = arith.addi %scan3A, %scan3A_15 : i32
    %scan3A_17 = arith.constant 1 : i32
    %scan3A_18 = scf.for %scan3A_67 = %scan3A to %scan3A_16 step %scan3A_17 iter_args(%scan3A_68 = %broadcast_in_dim3A_14) -> (vector<1x2048xi32>)  : i32 {
      %sub3A_69 = arith.constant 31 : i32
      %sub3A_70 = arith.subi %sub3A_69, %scan3A_67 : i32
      %shift_left3A = arith.constant 1 : i32
      %shift_left3A_71 = arith.shli %shift_left3A, %sub3A_70 : i32
      %add3A_72 = vector.broadcast %shift_left3A_71 : i32 to vector<1x2048xi32>
      %add3A_73 = arith.addi %scan3A_68, %add3A_72 : vector<1x2048xi32>
      %ge3A_74 = vector.broadcast %add3A_73 : vector<1x2048xi32> to vector<196x2048xi32>
      %ge3A_75 = arith.cmpi sge, %select_n3A, %ge3A_74 : vector<196x2048xi32>
      %convert_element_type3A_76 = arith.extui %ge3A_75 : vector<196x2048xi1> to vector<196x2048xi32>
      %reduce_sum3A_77 = arith.constant dense<0> : vector<2048xi32>
      %reduce_sum3A_78 = vector.multi_reduction <add>, %convert_element_type3A_76, %reduce_sum3A_77 [0] : vector<196x2048xi32> to vector<2048xi32>
      %broadcast_in_dim3A_79 = vector.shape_cast %reduce_sum3A_78 : vector<2048xi32> to vector<1x2048xi32>
      %ge3A_80 = arith.constant 49 : i32
      %ge3A_81 = vector.broadcast %ge3A_80 : i32 to vector<1x2048xi32>
      %ge3A_82 = arith.cmpi sge, %broadcast_in_dim3A_79, %ge3A_81 : vector<1x2048xi32>
      %select_n3A_83 = arith.select %ge3A_82, %add3A_73, %scan3A_68 : vector<1x2048xi1>, vector<1x2048xi32>
      scf.yield %select_n3A_83 : vector<1x2048xi32>
    }
    %scan3A_19 = arith.constant 32 : i32
    %gt3A = vector.broadcast %scan3A_18 : vector<1x2048xi32> to vector<196x2048xi32>
    %gt3A_20 = arith.cmpi sgt, %select_n3A, %gt3A : vector<196x2048xi32>
    %convert_element_type3A = arith.extui %gt3A_20 : vector<196x2048xi1> to vector<196x2048xi32>
    %reduce_sum3A = arith.constant dense<0> : vector<2048xi32>
    %reduce_sum3A_21 = vector.multi_reduction <add>, %convert_element_type3A, %reduce_sum3A [0] : vector<196x2048xi32> to vector<2048xi32>
    %broadcast_in_dim3A_22 = vector.shape_cast %reduce_sum3A_21 : vector<2048xi32> to vector<1x2048xi32>
    %sub3A = arith.constant 49 : i32
    %sub3A_23 = vector.broadcast %sub3A : i32 to vector<1x2048xi32>
    %sub3A_24 = arith.subi %sub3A_23, %broadcast_in_dim3A_22 : vector<1x2048xi32>
    %convert_element_type3A_25 = arith.sitofp %sub3A_24 : vector<1x2048xi32> to vector<1x2048xf32>
    %eq3A = vector.broadcast %scan3A_18 : vector<1x2048xi32> to vector<196x2048xi32>
    %eq3A_26 = arith.cmpi eq, %select_n3A, %eq3A : vector<196x2048xi32>
    %iota3A = tpu.iota {dimensions = array<i32: 0>} : vector<196x196xi32>
    %iota3A_27 = tpu.iota {dimensions = array<i32: 1>} : vector<196x196xi32>
    %gt3A_28 = arith.cmpi sgt, %iota3A, %iota3A_27 : vector<196x196xi32>
    %convert_element_type3A_29 = arith.extui %gt3A_28 : vector<196x196xi1> to vector<196x196xi32>
    %convert_element_type3A_30 = arith.sitofp %convert_element_type3A_29 : vector<196x196xi32> to vector<196x196xf32>
    %ge3A_31 = arith.cmpi sge, %iota3A, %iota3A_27 : vector<196x196xi32>
    %convert_element_type3A_32 = arith.extui %ge3A_31 : vector<196x196xi1> to vector<196x196xi32>
    %convert_element_type3A_33 = arith.sitofp %convert_element_type3A_32 : vector<196x196xi32> to vector<196x196xf32>
    %convert_element_type3A_34 = arith.extui %eq3A_26 : vector<196x2048xi1> to vector<196x2048xi32>
    %convert_element_type3A_35 = arith.sitofp %convert_element_type3A_34 : vector<196x2048xi32> to vector<196x2048xf32>
    %dot_general3A = arith.constant dense<0.000000e+00> : vector<196x2048xf32>
    %dot_general3A_36 = tpu.matmul %convert_element_type3A_30, %convert_element_type3A_35, %dot_general3A {dimension_numbers = #tpu.dot_dimension_numbers<[1], [0], [0], [1], [0, 0, 1, 1], [], []>, transpose_lhs_hint = false} : vector<196x196xf32>, vector<196x2048xf32>, vector<196x2048xf32> -> vector<196x2048xf32>
    %lt3A = vector.broadcast %convert_element_type3A_25 : vector<1x2048xf32> to vector<196x2048xf32>
    %lt3A_37 = arith.cmpf olt, %dot_general3A_36, %lt3A : vector<196x2048xf32>
    %and3A = arith.andi %eq3A_26, %lt3A_37 : vector<196x2048xi1>
    %or3A = arith.ori %gt3A_20, %and3A : vector<196x2048xi1>
    %convert_element_type3A_38 = arith.extui %or3A : vector<196x2048xi1> to vector<196x2048xi32>
    %convert_element_type3A_39 = arith.sitofp %convert_element_type3A_38 : vector<196x2048xi32> to vector<196x2048xf32>
    %dot_general3A_40 = arith.constant dense<0.000000e+00> : vector<196x2048xf32>
    %dot_general3A_41 = tpu.matmul %convert_element_type3A_33, %convert_element_type3A_39, %dot_general3A_40 {dimension_numbers = #tpu.dot_dimension_numbers<[1], [0], [0], [1], [0, 0, 1, 1], [], []>, transpose_lhs_hint = false} : vector<196x196xf32>, vector<196x2048xf32>, vector<196x2048xf32> -> vector<196x2048xf32>
    %iota3A_42 = tpu.iota {dimensions = array<i32: 0>} : vector<196x2048xi32>
    %convert_element_type3A_43 = arith.sitofp %iota3A_42 : vector<196x2048xi32> to vector<196x2048xf32>
    %sub3A_44 = arith.constant 1.000000e+00 : f32
    %sub3A_45 = vector.broadcast %sub3A_44 : f32 to vector<196x2048xf32>
    %sub3A_46 = arith.subf %dot_general3A_41, %sub3A_45 : vector<196x2048xf32>
    %add3A_47 = arith.constant 4.900000e+01 : f32
    %add3A_48 = vector.broadcast %add3A_47 : f32 to vector<196x2048xf32>
    %add3A_49 = arith.addf %add3A_48, %convert_element_type3A_43 : vector<196x2048xf32>
    %sub3A_50 = arith.subf %add3A_49, %dot_general3A_41 : vector<196x2048xf32>
    %select_n3A_51 = arith.select %or3A, %sub3A_46, %sub3A_50 : vector<196x2048xi1>, vector<196x2048xf32>
    %convert_element_type3A_52 = arith.fptosi %select_n3A_51 : vector<196x2048xf32> to vector<196x2048xi32>
    %transpose3A_53 = tpu.transpose %convert_element_type3A_52, [1, 0] : vector<196x2048xi32> -> vector<2048x196xi32>
    %iota3A_54 = tpu.iota {dimensions = array<i32: 1>} : vector<2048x196xi32>
    %mul3A_55 = arith.constant 208 : i32
    %mul3A_56 = vector.broadcast %mul3A_55 : i32 to vector<2048x196xi32>
    %mul3A_57 = arith.muli %transpose3A_53, %mul3A_56 : vector<2048x196xi32>
    %add3A_58 = arith.addi %mul3A_57, %iota3A_54 : vector<2048x196xi32>
    %iota3A_59 = tpu.iota {dimensions = array<i32: 1>} : vector<2048x12xi32>
    %add3A_60 = arith.constant 196 : i32
    %add3A_61 = vector.broadcast %add3A_60 : i32 to vector<2048x12xi32>
    %add3A_62 = arith.addi %iota3A_59, %add3A_61 : vector<2048x12xi32>
    %concatenate3A = tpu.concatenate %add3A_58, %add3A_62 in 1 : vector<2048x196xi32>, vector<2048x12xi32> -> vector<2048x208xi32>
    %reshape3A_63 = vector.shape_cast %concatenate3A : vector<2048x208xi32> to vector<8x256x208xi32>
    %swap3A = arith.constant 0 : index
    %swap3A_64 = arith.constant 0 : index
    %swap3A_65 = arith.constant 0 : index
    %swap3A_66 = vector.load %arg3[%swap3A, %swap3A_64, %swap3A_65] : memref<8x256x208xi32, #tpu.memory_space<vmem>>, vector<8x256x208xi32>
    tpu.vector_store %arg3[%swap3A, %swap3A_64, %swap3A_65], %reshape3A_63 {strides = array<i32>} : memref<8x256x208xi32, #tpu.memory_space<vmem>>, vector<8x256x208xi32>,
    return
  }
  func.func @transform_0(%arg0: i32) -> (i32, i32, i32) {
    %c0_i32 = arith.constant 0 : i32
    %c0_i32_0 = arith.constant 0 : i32
    %c0_i32_1 = arith.constant 0 : i32
    return %arg0, %c0_i32, %c0_i32_0 : i32, i32, i32
  }
  func.func @transform_1(%arg0: i32) -> (i32, i32, i32) {
    %c0_i32 = arith.constant 0 : i32
    %c0_i32_0 = arith.constant 0 : i32
    %c0_i32_1 = arith.constant 0 : i32
    return %arg0, %c0_i32, %c0_i32_0 : i32, i32, i32
  }
  func.func @transform_2(%arg0: i32) -> (i32, i32, i32) {
    %c0_i32 = arith.constant 0 : i32
    %c0_i32_0 = arith.constant 0 : i32
    %c0_i32_1 = arith.constant 0 : i32
    return %arg0, %c0_i32, %c0_i32_0 : i32, i32, i32
  }
}

</mosaic_0001>

<sc_bundles>
// kernel: kernel.4.cloned.1.call-start
scs
__scs_entry_jumppad:
0x0: {  	(pc) =	sbr.rel $0x88, $3  }
0x1: {  	(tag) =	ssettag $0x0;
	lr =	simm.s32 $0x1  }
0x2: {  	[smem:$0x3F9F] =	sst lr;
	_ =	strace $0xD0000000  }
0x3: {  	_ = 	snop  }
0x4: {  	_ = 	snop  }
0x5: {  	_ = 	snop  }
0x6: {  	_ = 	snop  }
0x7: {  	_ = 	snop  }
__scs_overlays_trampoline_lowered:
0x8: {  	[smem:$0x3FAE] =	sst s0  }
0x9: {  	[smem:$0x3FAF] =	sst s1  }
0xa: {  	[smem:$0x3FB0] =	sst s2  }
0xb: {  	[smem:$0x3FB1] =	sst s3  }
0xc: {  	[smem:$0x3FB2] =	sst s4  }
0xd: {  	[smem:$0x3FB3] =	sst s5  }
0xe: {  	[smem:$0x3FB4] =	sst s6  }
0xf: {  	[smem:$0x3FB5] =	sst s7  }
0x10: {  	[smem:$0x3FB6] =	sst s8  }
0x11: {  	[smem:$0x3FB7] =	sst s9;
	s0 =	simm.s32 @!p0 $0x0  }
0x12: {  	s1 =	sld [smem:$0x3F9D];
	s0 =	simm.s32 @p0 $0x1  }
0x13: {  	[smem:$0x3FB8] =	sst s0;
	s0 =	simm.s32 @!p1 $0x0  }
0x14: {  	s2 =	sld [smem:$0x3F9C];
	s0 =	simm.s32 @p1 $0x1  }
0x15: {  	[smem:$0x3FB9] =	sst s0;
	s0 =	simm.s32 @!p2 $0x0  }
0x16: {  	s3 =	sld [smem:$0x3FDB];
	s0 =	simm.s32 @p2 $0x1  }
0x17: {  	s4 =	simm.s32 $0x1BF5;
	[smem:$0x3FBB] =	sst s0  }
0x18: {  	s0 =	sld [smem:$0x3F9E];
	_ =	swait.ge [sflag:s4], $0x0  }
0x19: {  	s7 =	sld [smem:$0x3F9F]  }
0x1a: {  	s8 =	sadd.s32 $0xFFFFE003, lr  }
0x1b: {  	s9 =	sadd.s32 $0xFFFFFEF7, lr;
	s5 =	simm.s32 $0xFFFFFFFF;
	p2 =	slt.u32 s8, $0xFFFFF086  }
0x1c: {  	p1 =	slt.u32 s9, $0xF7A;
	s5 =	simm.s32 @!p2 $0x0  }
0x1d: {  	s5 =	simm.s32 @p1 $0x1;
	p0 =	seq.s32 s7, s2  }
0x1e: {  	s7 =	smul.u32 @!p0 $0xF7A, s2;
	p2 =	seq.s32 @!p0 s5, $0x0  }
0x1f: {  	s9 =	smul.u32 $0xF7A, s1;
	s8 =	simm.s32 @!p0 $0x1BF5;
	p2 =	por !p2, p0  }
0x20: {  	[sflag:s8] =	ssyncset.s32 @!p0 $0xFFFFF086;
	s6 =	sadd.s32 @!p0 s3, s7;
	s7 =	simm.s32 @!p0 $0x108  }
0x21: {  	s3 =	sadd.s32 s3, s9;
	s6 =	sadd.s32 @!p0 $0x88, s6;
	s7 =	simm.s32 @p2 $0x1082  }
0x22: {  	[simem:s7], [sflag:s8] =	dma.local @!p0 [hbm:s6], $0xF7A  }
0x23: {  	s9 =	sor.u32 $0xD0000000, s2;
	s6 =	simm.s32 $0x108;
	_ =	swait.ge @!p0 [sflag:s8], $0x0  }
0x24: {  	s3 =	sadd.s32 $0x88, s3;
	s6 =	simm.s32 @!p1 $0x1082;
	[sflag:s4] =	ssyncset.s32 $0xFFFFF086  }
0x25: {  	[simem:s6], [sflag:s4] =	dma.local [hbm:s3], $0xF7A  }
0x26: {  	[smem:$0x3F9F] =	sst s1;
	(tag) =	ssettag s2;
	_ =	strace s9  }
0x27: {  	s1 =	sld [smem:$0x3FAF]  }
0x28: {  	s2 =	sld [smem:$0x3FB0]  }
0x29: {  	s4 =	sld [smem:$0x3FB2]  }
0x2a: {  	p0 =	seq.s32 s5, $0x0;
	s5 =	sld [smem:$0x3FB3]  }
0x2b: {  	s6 =	sld [smem:$0x3FB4]  }
0x2c: {  	s7 =	sld [smem:$0x3FB5]  }
0x2d: {  	s3 =	simm.s32 $0x108;
	s8 =	sld [smem:$0x3FB6]  }
0x2e: {  	s3 =	simm.s32 @!p0 $0x1082;
	s9 =	sld [smem:$0x3FB7]  }
0x2f: {  	lr =	sadd.s32 s0, s3;
	s0 =	sld [smem:$0x3FAE]  }
0x30: {  	s3 =	sld [smem:$0x3FB1]  }
0x31: {  	[smem:$0x3FBA] =	sst s10  }
0x32: {  	s10 =	sld [smem:$0x3FB8];
	_ =	sdelay $0x3  }
0x33: {  	p0 =	seq.s32 s10, $0x1;
	s10 =	sld [smem:$0x3FBA];
	_ =	sdelay $0x3  }
0x34: {  	[smem:$0x3FBA] =	sst s10  }
0x35: {  	s10 =	sld [smem:$0x3FB9];
	_ =	sdelay $0x3  }
0x36: {  	p1 =	seq.s32 s10, $0x1;
	s10 =	sld [smem:$0x3FBA];
	_ =	sdelay $0x3  }
0x37: {  	[smem:$0x3FBA] =	sst s10  }
0x38: {  	s10 =	sld [smem:$0x3FBB]  }
0x39: {  	_ = 	snop;
	(pc) =	sbr.ind lr, $3  }
0x3a: {  	_ = 	snop  }
0x3b: {  	_ = 	snop  }
0x3c: {  	p2 =	seq.s32 s10, $0x1;
	s10 =	sld [smem:$0x3FBA]  }
0x3d: {  	_ =	shalt  }
0x3e: {  	_ =	shalt  }
0x3f: {  	_ =	shalt  }
0x40: {  	_ =	shalt  }
0x41: {  	_ =	shalt  }
0x42: {  	_ =	shalt  }
0x43: {  	_ =	shalt  }
0x44: {  	_ =	shalt  }
0x45: {  	_ =	shalt  }
0x46: {  	_ =	shalt  }
0x47: {  	_ =	shalt  }
0x48: {  	_ =	shalt  }
0x49: {  	_ =	shalt  }
0x4a: {  	_ =	shalt  }
0x4b: {  	_ =	shalt  }
0x4c: {  	_ =	shalt  }
0x4d: {  	_ =	shalt  }
0x4e: {  	_ =	shalt  }
0x4f: {  	_ =	shalt  }
0x50: {  	_ =	shalt  }
0x51: {  	_ =	shalt  }
0x52: {  	_ =	shalt  }
0x53: {  	_ =	shalt  }
0x54: {  	_ =	shalt  }
0x55: {  	_ =	shalt  }
0x56: {  	_ =	shalt  }
0x57: {  	_ =	shalt  }
0x58: {  	_ =	shalt  }
0x59: {  	_ =	shalt  }
0x5a: {  	_ =	shalt  }
0x5b: {  	_ =	shalt  }
0x5c: {  	_ =	shalt  }
0x5d: {  	_ =	shalt  }
0x5e: {  	_ =	shalt  }
0x5f: {  	_ =	shalt  }
0x60: {  	_ =	shalt  }
0x61: {  	_ =	shalt  }
0x62: {  	_ =	shalt  }
0x63: {  	_ =	shalt  }
0x64: {  	_ =	shalt  }
0x65: {  	_ =	shalt  }
0x66: {  	_ =	shalt  }
0x67: {  	_ =	shalt  }
0x68: {  	_ =	shalt  }
0x69: {  	_ =	shalt  }
0x6a: {  	_ =	shalt  }
0x6b: {  	_ =	shalt  }
0x6c: {  	_ =	shalt  }
0x6d: {  	_ =	shalt  }
0x6e: {  	_ =	shalt  }
0x6f: {  	_ =	shalt  }
0x70: {  	_ =	shalt  }
0x71: {  	_ =	shalt  }
0x72: {  	_ =	shalt  }
0x73: {  	_ =	shalt  }
0x74: {  	_ =	shalt  }
0x75: {  	_ =	shalt  }
0x76: {  	_ =	shalt  }
0x77: {  	_ =	shalt  }
0x78: {  	_ =	shalt  }
0x79: {  	_ =	shalt  }
0x7a: {  	_ =	shalt  }
0x7b: {  	_ =	shalt  }
0x7c: {  	_ =	shalt  }
0x7d: {  	_ =	shalt  }
0x7e: {  	_ =	shalt  }
0x7f: {  	_ =	shalt  }
0x80: {  	_ =	shalt  }
0x81: {  	_ =	shalt  }
0x82: {  	_ =	shalt  }
0x83: {  	_ =	shalt  }
0x84: {  	_ =	shalt  }
0x85: {  	_ =	shalt  }
0x86: {  	_ =	shalt  }
0x87: {  	_ =	shalt  }
.Lfunc_end0:
.L_simem_size_0:
called_computation_lowered:
.L_overlay_start_0:
0x88: {  	s2 =	sld [smem:$0x3FD9]  }
0x89: {  	s3 =	sld [smem:$0x3FFE];
	_ =	sdelay $0x1  }
0x8a: {  	s1 =	srdreg.scid  }
0x8b: {  	s0 =	sand.u32 $0x1, s1  }
0x8c: {  	s16 =	sshll.u32 s0, $0xA;
	s2 =	sadd.s32 s3, s2  }
0x8d: {  	s2 =	sadd.s32 s2, s16  }
0x8e: {  	[smem:$0x3FC6] =	sst s2  }
0x8f: {  	_ = 	snop  }
0x90: {  	(tm) =	ssettm $0x1  }
0x91: {  	s17 =	sld [smem:$0x3FFB];
	_ =	sdelay $0x3  }
0x92: {  	_ =	strace s17  }
0x93: {  	s2 =	sld [smem:$0x3FFC];
	_ =	sdelay $0x3  }
0x94: {  	_ =	strace s2  }
0x95: {  	s2 =	sld [smem:$0x3FFD];
	_ =	sdelay $0x3  }
0x96: {  	_ =	strace s2  }
0x97: {  	_ =	strace $0x8FFFFFFF  }
0x98: {  	s18 =	sld [smem:$0x3FDB];
	_ =	sdelay $0x1  }
0x99: {  	s19 =	simm.s32 $_scs_section_size  }
0x9a: {  	s4 =	simm.s32 $_size__tile_overlayer_lowered;
	s5 =	simm.s32 $_tile_overlayer_lowered  }
0x9b: {  	s22 =	simm.s32 $0x1BFF;
	s21 =	sshll.u32 s5, $0x1;
	s2 =	sadd.s32 s19, s18  }
0x9c: {  	s6 =	simm.s32 $0x0;
	s20 =	sshll.u32 s4, $0x1;
	s4 =	sadd.s32 s21, s2  }
0x9d: {  	[timem:s6], [sflag:s22] =	dma.local [hbm:s4], s20  }
0x9e: {  	_ =	swait.ge [sflag:s22], s20  }
0x9f: {  	s3 =	ssub.s32 $0x0, s20;
	[sflag:s22] =	ssyncset.done $0x0  }
0xa0: {  	[sflag:s22] =	ssyncadd.s32 s3;
	_ =	sdelay $0x1  }
0xa1: {  	s23 =	simm.s32 $0x1B8B  }
0xa2: {  	_ =	swait.ge [sflag:s23], $0x1  }
0xa3: {  	[sflag:s23] =	ssyncset.done $0x0  }
0xa4: {  	s25 =	simm.s32 $0x1B8E;
	s24 =	sld [smem:$0x3FFE];
	[sflag:s23] =	ssyncadd.s32 $0xFFFFFFFF  }
0xa5: {  	s26 =	simm.s32 $execute0_lowered;
	[smem:$0x3FD2] =	sst s25  }
0xa6: {  	s4 =	sshll.u32 s26, $0x1;
	_ =	strace $0x80000046;
	[dreg:$0x1] =	wrdreg $0xFFFFFFFF  }
0xa7: {  	s28 =	simm.s32 $_size_execute0_lowered;
	s2 =	sadd.s32 s2, s4;
	[dreg:$0x0] =	wrdreg $0x0  }
0xa8: {  	s4 =	sshll.u32 s28, $0x1;
	[dreg:$0x2] =	wrdreg s2  }
0xa9: {  	[dreg:$0x3] =	wrdreg s4  }
0xaa: {  	[dreg:$0x4] =	wrdreg $0xC0  }
0xab: {  	_ =	task [dreg:s6], $0x5FFFF  }
0xac: {  	[dreg:$0x1] =	wrdreg $0xFFFFFFFF  }
0xad: {  	[dreg:$0x0] =	wrdreg $0x60  }
0xae: {  	[dreg:$0x2] =	wrdreg s24  }
0xaf: {  	[dreg:$0x3] =	wrdreg $0x9  }
0xb0: {  	_ =	task.clear_ibuf [dreg:s6], $0x4FFFF;
	_ =	strace $0x90000046  }
0xb1: {  	s29 =	simm.s32 $0x9;
	_ =	strace $0x80000048  }
0xb2: {  	_ =	swait.ge [sflag:s29], $0x1  }
0xb3: {  	[sflag:s29] =	ssyncadd.s32 $0xFFFFFFFF  }
0xb4: {  	_ =	strace $0x90000048  }
0xb5: {  	_ =	sfence  }
0xb6: {  	s30 =	sld [smem:$0x0];
	_ =	sdelay $0x2  }
0xb7: {  	s31 =	sshll.u32 s1, $0xD;
	s1 =	sshrl.u32 s1, $0x2  }
0xb8: {  	s3 =	sand.u32 $0x4000, s31;
	s1 =	sadd.s32 s1, s30  }
0xb9: {  	s0 =	sor.u32 s3, s0;
	s1 =	sshll.u32 s1, $0x11  }
0xba: {  	s0 =	sor.u32 s1, s0  }
0xbb: {  	s0 =	sadd.s32 $0x8F2B, s0  }
0xbc: {  	[sflag:s0] =	ssyncadd.remote.s32 $0x1  }
0xbd: {  	_ =	sfence.sel $0xFFFF  }
0xbe: {  	[dreg:$0x0] =	wrdreg $0xFFFFFFFF;
	(pc) =	sbr.abs _section_cstart, $3  }
0xbf: {  	[dreg:$0x1] =	wrdreg $0xFFFFFFFF  }
0xc0: {  	_ =	task.clear_ibuf [dreg:s6], $0x2FFFF;
	_ =	strace $0x9FFFFFFF  }
0xc1: {  	(tm) =	ssettm $0x7FFFFFFF  }
tec
execute0_lowered:
.L_overlay_start_1:
0x0: {  	(tag) =	ssettag $0x1  }
0x1: {  	s1 =	stileid.u32  }
0x2: {  	p0 =	sgt.u32 s1, $0x7  }
.Ltmp0:
0x3: {  	_ = 	snop;
	(pc) =	sbr.rel @p0 .LBB2_7-.Ltmp0, $4  }
0x4: {  	_ = 	snop  }
0x5: {  	s3 =	rddreg [dreg:$0x0];
	s2 =	simm.s32 $0x0  }
0x6: {  	[smem:$0x7FF] =	sst s2  }
0x7: {  	s0 =	rddreg [dreg:$0x1];
	_ =	strace $0x80000047  }
0x8: {  	s4 =	srdreg.scid  }
0x9: {  	s4 =	sand.u32 $0x1, s4  }
0xa: {  	s6 =	sshll.u32 s1, $0x7;
	s5 =	smul.u32 $0x4FC00, s4  }
0xb: {  	s8 =	sadd.s32 $0x400, s3;
	s9 =	simm.s32 $0xD000;
	s7 =	smul.u32 $0x68000, s4  }
0xc: {  	s10 =	simm.s32 $0x2;
	s4 =	ssub.s32 $0x2, s4;
	s5 =	sadd.s32 s6, s5  }
0xd: {  	s31 =	sshrl.u32 s4, $0x1;
	s6 =	sor.u32 s6, s7;
	s5 =	sshrl.u32 s5, $0x3  }
0xe: {  	s7 =	simm.s32 $0x400;
	s6 =	sshrl.u32 s6, $0x3;
	s30 =	sadd.s32 s5, s3  }
0xf: {  	s5 =	ssub.s32 s4, s31;
	s4 =	sadd.s32 s8, s6;
	s6 =	simm.s32 $0x80  }
0x10: {  	v0 =	vimm.f32 $0.0e+00;
	v1 =	vimm.f32 $3.906250000e-03;
	s8 =	simm.s32 $0x1;
	s3 =	sadd.s32 $0x1A400, s30;
	s5 =	smax.u32 s5, $0x1  }
.LBB2_2:
0x11: {  	s12 =	simm.s32 $0x0;
	s11 =	simm.s32 $0xD060  }
0x12: {  	[tilespmem:s12], [sflag:$0x1] =	stream.strided.gather [hbm4b:s4+s6], $0xD000, s7, s6, $0x38;
	[tilespmem:$0x16F80] =	vst v63  }
0x13: {  	[tilespmem:s11+$0xFFFFFFB0] =	vst v0  }
0x14: {  	[tilespmem:s11+$0xFFFFFFC0] =	vst v0  }
0x15: {  	[tilespmem:s11+$0xFFFFFFD0] =	vst v0  }
0x16: {  	[tilespmem:s11+$0xFFFFFFE0] =	vst v0  }
0x17: {  	[tilespmem:s11+$0xFFFFFFF0] =	vst v0  }
0x18: {  	[tilespmem:s11+$0x0] =	vst v0  }
0x19: {  	[tilespmem:s11+$0x10] =	vst v0  }
0x1a: {  	s13 =	sand.u32 $0xFFF0, s12;
	s12 =	simm.s32 $0xD0;
	[tilespmem:s11+$0xFFFFFFA0] =	vst v0  }
.LBB2_3:
0x1b: {  	p0 =	sne.s32 s12, $0x9E70;
	[tilespmem:s13+$0xD080] =	vst v0  }
0x1c: {  	[tilespmem:s11+$0x30] =	vst v0  }
0x1d: {  	[tilespmem:s11+$0x40] =	vst v0  }
0x1e: {  	[tilespmem:s11+$0x50] =	vst v0  }
0x1f: {  	[tilespmem:s11+$0x60] =	vst v0;
	s11 =	sadd.s32 $0xD0, s11  }
0x20: {  	[tilespmem:s11+$0xFFFFFFB0] =	vst v0  }
0x21: {  	[tilespmem:s11+$0xFFFFFFC0] =	vst v0  }
0x22: {  	[tilespmem:s11+$0xFFFFFFD0] =	vst v0  }
.Ltmp1:
0x23: {  	[tilespmem:s11+$0xFFFFFFE0] =	vst v0;
	(pc) =	sbr.rel @p0 .LBB2_3-.Ltmp1, $4  }
0x24: {  	[tilespmem:s11+$0xFFFFFFF0] =	vst v0  }
0x25: {  	[tilespmem:s11+$0x0] =	vst v0  }
0x26: {  	[tilespmem:s11+$0x10] =	vst v0  }
0x27: {  	s13 =	sand.u32 $0xFFF0, s12;
	s12 =	sadd.s32 $0xD0, s12;
	[tilespmem:s11+$0xFFFFFFA0] =	vst v0  }
0x28: {  	[tilespmem:s13+$0xD080] =	vst v0  }
0x29: {  	[tilespmem:s11+$0x30] =	vst v0  }
0x2a: {  	[tilespmem:s11+$0x40] =	vst v0  }
0x2b: {  	[tilespmem:s11+$0x50] =	vst v0  }
0x2c: {  	[tilespmem:s11+$0x60] =	vst v0  }
0x2d: {  	_ =	swait.ge [sflag:s8], $0xD000  }
0x2e: {  	[sflag:s8] =	ssyncset.done $0x0  }
0x2f: {  	s11 =	simm.s32 $0x0;
	[sflag:s8] =	ssyncadd.s32 $0xFFFF3000  }
.LBB2_5:
0x30: {  	s12 =	sshra.s32 s11, $0x2  }
0x31: {  	v2 =	vld [tilespmem:s12+$0x0];
	_ =	sdelay $0x7  }
0x32: {  	[tilespmem:v2+s9+$0x0] =	vst.idx.add.f32.msk $0xffff, v1  }
0x33: {  	v2 =	vld [tilespmem:s12+$0x10];
	_ =	sdelay $0x7  }
0x34: {  	[tilespmem:v2+s9+$0x0] =	vst.idx.add.f32.msk $0xffff, v1  }
0x35: {  	v2 =	vld [tilespmem:s12+$0x20];
	_ =	sdelay $0x7  }
0x36: {  	[tilespmem:v2+s9+$0x0] =	vst.idx.add.f32.msk $0xffff, v1  }
0x37: {  	v2 =	vld [tilespmem:s12+$0x30];
	_ =	sdelay $0x7  }
0x38: {  	[tilespmem:v2+s9+$0x0] =	vst.idx.add.f32.msk $0xffff, v1  }
0x39: {  	v2 =	vld [tilespmem:s12+$0x40];
	_ =	sdelay $0x7  }
0x3a: {  	[tilespmem:v2+s9+$0x0] =	vst.idx.add.f32.msk $0xffff, v1  }
0x3b: {  	v2 =	vld [tilespmem:s12+$0x50];
	_ =	sdelay $0x7  }
0x3c: {  	[tilespmem:v2+s9+$0x0] =	vst.idx.add.f32.msk $0xffff, v1  }
0x3d: {  	v2 =	vld [tilespmem:s12+$0x60];
	_ =	sdelay $0x7  }
0x3e: {  	[tilespmem:v2+s9+$0x0] =	vst.idx.add.f32.msk $0xffff, v1  }
0x3f: {  	v2 =	vld [tilespmem:s12+$0x70];
	_ =	sdelay $0x7  }
0x40: {  	[tilespmem:v2+s9+$0x0] =	vst.idx.add.f32.msk $0xffff, v1  }
0x41: {  	v2 =	vld [tilespmem:s12+$0x80];
	_ =	sdelay $0x7  }
0x42: {  	[tilespmem:v2+s9+$0x0] =	vst.idx.add.f32.msk $0xffff, v1  }
0x43: {  	v2 =	vld [tilespmem:s12+$0x90];
	_ =	sdelay $0x7  }
0x44: {  	[tilespmem:v2+s9+$0x0] =	vst.idx.add.f32.msk $0xffff, v1  }
0x45: {  	v2 =	vld [tilespmem:s12+$0xA0];
	_ =	sdelay $0x7  }
0x46: {  	[tilespmem:v2+s9+$0x0] =	vst.idx.add.f32.msk $0xffff, v1  }
0x47: {  	v2 =	vld [tilespmem:s12+$0xB0];
	_ =	sdelay $0x7  }
0x48: {  	[tilespmem:v2+s9+$0x0] =	vst.idx.add.f32.msk $0xffff, v1  }
0x49: {  	v2 =	vld [tilespmem:s12+$0xC0];
	_ =	sdelay $0x7  }
0x4a: {  	[tilespmem:v2+s9+$0x0] =	vst.idx.add.f32.msk $0xffff, v1  }
0x4b: {  	v2 =	vld [tilespmem:s12+$0xD0];
	_ =	sdelay $0x7  }
0x4c: {  	[tilespmem:v2+s9+$0x0] =	vst.idx.add.f32.msk $0xffff, v1  }
0x4d: {  	v2 =	vld [tilespmem:s12+$0xE0];
	_ =	sdelay $0x7  }
0x4e: {  	[tilespmem:v2+s9+$0x0] =	vst.idx.add.f32.msk $0xffff, v1  }
0x4f: {  	v2 =	vld [tilespmem:s12+$0xF0];
	_ =	sdelay $0x7  }
0x50: {  	[tilespmem:v2+s9+$0x0] =	vst.idx.add.f32.msk $0xffff, v1  }
0x51: {  	v2 =	vld [tilespmem:s12+$0x100];
	_ =	sdelay $0x7  }
0x52: {  	[tilespmem:v2+s9+$0x0] =	vst.idx.add.f32.msk $0xffff, v1  }
0x53: {  	v2 =	vld [tilespmem:s12+$0x110];
	_ =	sdelay $0x7  }
0x54: {  	[tilespmem:v2+s9+$0x0] =	vst.idx.add.f32.msk $0xffff, v1  }
0x55: {  	v2 =	vld [tilespmem:s12+$0x120];
	_ =	sdelay $0x7  }
0x56: {  	[tilespmem:v2+s9+$0x0] =	vst.idx.add.f32.msk $0xffff, v1  }
0x57: {  	v2 =	vld [tilespmem:s12+$0x130];
	_ =	sdelay $0x7  }
0x58: {  	[tilespmem:v2+s9+$0x0] =	vst.idx.add.f32.msk $0xffff, v1  }
0x59: {  	v2 =	vld [tilespmem:s12+$0x140];
	_ =	sdelay $0x7  }
0x5a: {  	[tilespmem:v2+s9+$0x0] =	vst.idx.add.f32.msk $0xffff, v1  }
0x5b: {  	v2 =	vld [tilespmem:s12+$0x150];
	_ =	sdelay $0x7  }
0x5c: {  	[tilespmem:v2+s9+$0x0] =	vst.idx.add.f32.msk $0xffff, v1  }
0x5d: {  	v2 =	vld [tilespmem:s12+$0x160];
	_ =	sdelay $0x7  }
0x5e: {  	[tilespmem:v2+s9+$0x0] =	vst.idx.add.f32.msk $0xffff, v1  }
0x5f: {  	v2 =	vld [tilespmem:s12+$0x170];
	_ =	sdelay $0x7  }
0x60: {  	[tilespmem:v2+s9+$0x0] =	vst.idx.add.f32.msk $0xffff, v1  }
0x61: {  	v2 =	vld [tilespmem:s12+$0x180];
	_ =	sdelay $0x7  }
0x62: {  	[tilespmem:v2+s9+$0x0] =	vst.idx.add.f32.msk $0xffff, v1  }
0x63: {  	v2 =	vld [tilespmem:s12+$0x190];
	_ =	sdelay $0x7  }
0x64: {  	[tilespmem:v2+s9+$0x0] =	vst.idx.add.f32.msk $0xffff, v1  }
0x65: {  	v2 =	vld [tilespmem:s12+$0x1A0];
	_ =	sdelay $0x7  }
0x66: {  	[tilespmem:v2+s9+$0x0] =	vst.idx.add.f32.msk $0xffff, v1  }
0x67: {  	v2 =	vld [tilespmem:s12+$0x1B0];
	_ =	sdelay $0x7  }
0x68: {  	[tilespmem:v2+s9+$0x0] =	vst.idx.add.f32.msk $0xffff, v1  }
0x69: {  	v2 =	vld [tilespmem:s12+$0x1C0];
	_ =	sdelay $0x7  }
0x6a: {  	[tilespmem:v2+s9+$0x0] =	vst.idx.add.f32.msk $0xffff, v1  }
0x6b: {  	v2 =	vld [tilespmem:s12+$0x1D0];
	_ =	sdelay $0x7  }
0x6c: {  	[tilespmem:v2+s9+$0x0] =	vst.idx.add.f32.msk $0xffff, v1  }
0x6d: {  	v2 =	vld [tilespmem:s12+$0x1E0];
	_ =	sdelay $0x7  }
0x6e: {  	[tilespmem:v2+s9+$0x0] =	vst.idx.add.f32.msk $0xffff, v1  }
0x6f: {  	v2 =	vld [tilespmem:s12+$0x1F0];
	_ =	sdelay $0x7  }
0x70: {  	[tilespmem:v2+s9+$0x0] =	vst.idx.add.f32.msk $0xffff, v1  }
0x71: {  	v2 =	vld [tilespmem:s12+$0x200];
	_ =	sdelay $0x7  }
0x72: {  	[tilespmem:v2+s9+$0x0] =	vst.idx.add.f32.msk $0xffff, v1  }
0x73: {  	v2 =	vld [tilespmem:s12+$0x210];
	_ =	sdelay $0x7  }
0x74: {  	[tilespmem:v2+s9+$0x0] =	vst.idx.add.f32.msk $0xffff, v1  }
0x75: {  	v2 =	vld [tilespmem:s12+$0x220];
	_ =	sdelay $0x7  }
0x76: {  	[tilespmem:v2+s9+$0x0] =	vst.idx.add.f32.msk $0xffff, v1  }
0x77: {  	v2 =	vld [tilespmem:s12+$0x230];
	_ =	sdelay $0x7  }
0x78: {  	[tilespmem:v2+s9+$0x0] =	vst.idx.add.f32.msk $0xffff, v1  }
0x79: {  	v2 =	vld [tilespmem:s12+$0x240];
	_ =	sdelay $0x7  }
0x7a: {  	[tilespmem:v2+s9+$0x0] =	vst.idx.add.f32.msk $0xffff, v1  }
0x7b: {  	v2 =	vld [tilespmem:s12+$0x250];
	_ =	sdelay $0x7  }
0x7c: {  	[tilespmem:v2+s9+$0x0] =	vst.idx.add.f32.msk $0xffff, v1  }
0x7d: {  	v2 =	vld [tilespmem:s12+$0x260];
	_ =	sdelay $0x7  }
0x7e: {  	[tilespmem:v2+s9+$0x0] =	vst.idx.add.f32.msk $0xffff, v1  }
0x7f: {  	v2 =	vld [tilespmem:s12+$0x270];
	_ =	sdelay $0x7  }
0x80: {  	[tilespmem:v2+s9+$0x0] =	vst.idx.add.f32.msk $0xffff, v1  }
0x81: {  	v2 =	vld [tilespmem:s12+$0x280];
	_ =	sdelay $0x7  }
0x82: {  	[tilespmem:v2+s9+$0x0] =	vst.idx.add.f32.msk $0xffff, v1  }
0x83: {  	v2 =	vld [tilespmem:s12+$0x290];
	_ =	sdelay $0x7  }
0x84: {  	[tilespmem:v2+s9+$0x0] =	vst.idx.add.f32.msk $0xffff, v1  }
0x85: {  	v2 =	vld [tilespmem:s12+$0x2A0];
	_ =	sdelay $0x7  }
0x86: {  	[tilespmem:v2+s9+$0x0] =	vst.idx.add.f32.msk $0xffff, v1  }
0x87: {  	v2 =	vld [tilespmem:s12+$0x2B0];
	_ =	sdelay $0x7  }
0x88: {  	[tilespmem:v2+s9+$0x0] =	vst.idx.add.f32.msk $0xffff, v1  }
0x89: {  	v2 =	vld [tilespmem:s12+$0x2C0];
	_ =	sdelay $0x7  }
0x8a: {  	[tilespmem:v2+s9+$0x0] =	vst.idx.add.f32.msk $0xffff, v1  }
0x8b: {  	v2 =	vld [tilespmem:s12+$0x2D0];
	_ =	sdelay $0x7  }
0x8c: {  	[tilespmem:v2+s9+$0x0] =	vst.idx.add.f32.msk $0xffff, v1  }
0x8d: {  	v2 =	vld [tilespmem:s12+$0x2E0];
	_ =	sdelay $0x7  }
0x8e: {  	[tilespmem:v2+s9+$0x0] =	vst.idx.add.f32.msk $0xffff, v1  }
0x8f: {  	v2 =	vld [tilespmem:s12+$0x2F0];
	_ =	sdelay $0x7  }
0x90: {  	[tilespmem:v2+s9+$0x0] =	vst.idx.add.f32.msk $0xffff, v1  }
0x91: {  	v2 =	vld [tilespmem:s12+$0x300];
	_ =	sdelay $0x7  }
0x92: {  	[tilespmem:v2+s9+$0x0] =	vst.idx.add.f32.msk $0xffff, v1  }
0x93: {  	v2 =	vld [tilespmem:s12+$0x310];
	_ =	sdelay $0x7  }
0x94: {  	[tilespmem:v2+s9+$0x0] =	vst.idx.add.f32.msk $0xffff, v1  }
0x95: {  	v2 =	vld [tilespmem:s12+$0x320];
	_ =	sdelay $0x7  }
0x96: {  	[tilespmem:v2+s9+$0x0] =	vst.idx.add.f32.msk $0xffff, v1  }
0x97: {  	v2 =	vld [tilespmem:s12+$0x330];
	_ =	sdelay $0x7  }
0x98: {  	[tilespmem:v2+s9+$0x0] =	vst.idx.add.f32.msk $0xffff, v1  }
0x99: {  	v2 =	vld [tilespmem:s12+$0x340];
	_ =	sdelay $0x7  }
0x9a: {  	[tilespmem:v2+s9+$0x0] =	vst.idx.add.f32.msk $0xffff, v1  }
0x9b: {  	v2 =	vld [tilespmem:s12+$0x350];
	_ =	sdelay $0x7  }
0x9c: {  	[tilespmem:v2+s9+$0x0] =	vst.idx.add.f32.msk $0xffff, v1  }
0x9d: {  	v2 =	vld [tilespmem:s12+$0x360];
	_ =	sdelay $0x7  }
0x9e: {  	[tilespmem:v2+s9+$0x0] =	vst.idx.add.f32.msk $0xffff, v1  }
0x9f: {  	v2 =	vld [tilespmem:s12+$0x370];
	_ =	sdelay $0x7  }
0xa0: {  	[tilespmem:v2+s9+$0x0] =	vst.idx.add.f32.msk $0xffff, v1  }
0xa1: {  	v2 =	vld [tilespmem:s12+$0x380];
	_ =	sdelay $0x7  }
0xa2: {  	[tilespmem:v2+s9+$0x0] =	vst.idx.add.f32.msk $0xffff, v1  }
0xa3: {  	v2 =	vld [tilespmem:s12+$0x390];
	_ =	sdelay $0x7  }
0xa4: {  	[tilespmem:v2+s9+$0x0] =	vst.idx.add.f32.msk $0xffff, v1  }
0xa5: {  	v2 =	vld [tilespmem:s12+$0x3A0];
	_ =	sdelay $0x7  }
0xa6: {  	[tilespmem:v2+s9+$0x0] =	vst.idx.add.f32.msk $0xffff, v1  }
0xa7: {  	v2 =	vld [tilespmem:s12+$0x3B0];
	_ =	sdelay $0x7  }
0xa8: {  	[tilespmem:v2+s9+$0x0] =	vst.idx.add.f32.msk $0xffff, v1  }
0xa9: {  	v2 =	vld [tilespmem:s12+$0x3C0];
	_ =	sdelay $0x7  }
0xaa: {  	[tilespmem:v2+s9+$0x0] =	vst.idx.add.f32.msk $0xffff, v1  }
0xab: {  	v2 =	vld [tilespmem:s12+$0x3D0];
	_ =	sdelay $0x7  }
0xac: {  	[tilespmem:v2+s9+$0x0] =	vst.idx.add.f32.msk $0xffff, v1  }
0xad: {  	v2 =	vld [tilespmem:s12+$0x3E0];
	_ =	sdelay $0x7  }
0xae: {  	[tilespmem:v2+s9+$0x0] =	vst.idx.add.f32.msk $0xffff, v1  }
0xaf: {  	v2 =	vld [tilespmem:s12+$0x3F0];
	_ =	sdelay $0x7  }
0xb0: {  	[tilespmem:v2+s9+$0x0] =	vst.idx.add.f32.msk $0xffff, v1  }
0xb1: {  	v2 =	vld [tilespmem:s12+$0x400];
	_ =	sdelay $0x7  }
0xb2: {  	[tilespmem:v2+s9+$0x0] =	vst.idx.add.f32.msk $0xffff, v1  }
0xb3: {  	v2 =	vld [tilespmem:s12+$0x410];
	_ =	sdelay $0x7  }
0xb4: {  	[tilespmem:v2+s9+$0x0] =	vst.idx.add.f32.msk $0xffff, v1  }
0xb5: {  	v2 =	vld [tilespmem:s12+$0x420];
	_ =	sdelay $0x7  }
0xb6: {  	[tilespmem:v2+s9+$0x0] =	vst.idx.add.f32.msk $0xffff, v1  }
0xb7: {  	v2 =	vld [tilespmem:s12+$0x430];
	_ =	sdelay $0x7  }
0xb8: {  	[tilespmem:v2+s9+$0x0] =	vst.idx.add.f32.msk $0xffff, v1  }
0xb9: {  	v2 =	vld [tilespmem:s12+$0x440];
	_ =	sdelay $0x7  }
0xba: {  	[tilespmem:v2+s9+$0x0] =	vst.idx.add.f32.msk $0xffff, v1  }
0xbb: {  	v2 =	vld [tilespmem:s12+$0x450];
	_ =	sdelay $0x7  }
0xbc: {  	[tilespmem:v2+s9+$0x0] =	vst.idx.add.f32.msk $0xffff, v1  }
0xbd: {  	v2 =	vld [tilespmem:s12+$0x460];
	_ =	sdelay $0x7  }
0xbe: {  	[tilespmem:v2+s9+$0x0] =	vst.idx.add.f32.msk $0xffff, v1  }
0xbf: {  	v2 =	vld [tilespmem:s12+$0x470];
	_ =	sdelay $0x7  }
0xc0: {  	[tilespmem:v2+s9+$0x0] =	vst.idx.add.f32.msk $0xffff, v1  }
0xc1: {  	v2 =	vld [tilespmem:s12+$0x480];
	_ =	sdelay $0x7  }
0xc2: {  	[tilespmem:v2+s9+$0x0] =	vst.idx.add.f32.msk $0xffff, v1  }
0xc3: {  	v2 =	vld [tilespmem:s12+$0x490];
	_ =	sdelay $0x7  }
0xc4: {  	[tilespmem:v2+s9+$0x0] =	vst.idx.add.f32.msk $0xffff, v1  }
0xc5: {  	v2 =	vld [tilespmem:s12+$0x4A0];
	_ =	sdelay $0x7  }
0xc6: {  	[tilespmem:v2+s9+$0x0] =	vst.idx.add.f32.msk $0xffff, v1  }
0xc7: {  	v2 =	vld [tilespmem:s12+$0x4B0];
	_ =	sdelay $0x7  }
0xc8: {  	[tilespmem:v2+s9+$0x0] =	vst.idx.add.f32.msk $0xffff, v1  }
0xc9: {  	v2 =	vld [tilespmem:s12+$0x4C0];
	_ =	sdelay $0x7  }
0xca: {  	[tilespmem:v2+s9+$0x0] =	vst.idx.add.f32.msk $0xffff, v1  }
0xcb: {  	v2 =	vld [tilespmem:s12+$0x4D0];
	_ =	sdelay $0x7  }
0xcc: {  	[tilespmem:v2+s9+$0x0] =	vst.idx.add.f32.msk $0xffff, v1  }
0xcd: {  	v2 =	vld [tilespmem:s12+$0x4E0];
	_ =	sdelay $0x7  }
0xce: {  	[tilespmem:v2+s9+$0x0] =	vst.idx.add.f32.msk $0xffff, v1  }
0xcf: {  	v2 =	vld [tilespmem:s12+$0x4F0];
	_ =	sdelay $0x7  }
0xd0: {  	[tilespmem:v2+s9+$0x0] =	vst.idx.add.f32.msk $0xffff, v1  }
0xd1: {  	v2 =	vld [tilespmem:s12+$0x500];
	_ =	sdelay $0x7  }
0xd2: {  	[tilespmem:v2+s9+$0x0] =	vst.idx.add.f32.msk $0xffff, v1  }
0xd3: {  	v2 =	vld [tilespmem:s12+$0x510];
	_ =	sdelay $0x7  }
0xd4: {  	[tilespmem:v2+s9+$0x0] =	vst.idx.add.f32.msk $0xffff, v1  }
0xd5: {  	v2 =	vld [tilespmem:s12+$0x520];
	_ =	sdelay $0x7  }
0xd6: {  	[tilespmem:v2+s9+$0x0] =	vst.idx.add.f32.msk $0xffff, v1  }
0xd7: {  	v2 =	vld [tilespmem:s12+$0x530];
	_ =	sdelay $0x7  }
0xd8: {  	[tilespmem:v2+s9+$0x0] =	vst.idx.add.f32.msk $0xffff, v1  }
0xd9: {  	v2 =	vld [tilespmem:s12+$0x540];
	_ =	sdelay $0x7  }
0xda: {  	[tilespmem:v2+s9+$0x0] =	vst.idx.add.f32.msk $0xffff, v1  }
0xdb: {  	v2 =	vld [tilespmem:s12+$0x550];
	_ =	sdelay $0x7  }
0xdc: {  	[tilespmem:v2+s9+$0x0] =	vst.idx.add.f32.msk $0xffff, v1  }
0xdd: {  	v2 =	vld [tilespmem:s12+$0x560];
	_ =	sdelay $0x7  }
0xde: {  	[tilespmem:v2+s9+$0x0] =	vst.idx.add.f32.msk $0xffff, v1  }
0xdf: {  	v2 =	vld [tilespmem:s12+$0x570];
	_ =	sdelay $0x7  }
0xe0: {  	[tilespmem:v2+s9+$0x0] =	vst.idx.add.f32.msk $0xffff, v1  }
0xe1: {  	v2 =	vld [tilespmem:s12+$0x580];
	_ =	sdelay $0x7  }
0xe2: {  	[tilespmem:v2+s9+$0x0] =	vst.idx.add.f32.msk $0xffff, v1  }
0xe3: {  	v2 =	vld [tilespmem:s12+$0x590];
	_ =	sdelay $0x7  }
0xe4: {  	[tilespmem:v2+s9+$0x0] =	vst.idx.add.f32.msk $0xffff, v1  }
0xe5: {  	v2 =	vld [tilespmem:s12+$0x5A0];
	_ =	sdelay $0x7  }
0xe6: {  	[tilespmem:v2+s9+$0x0] =	vst.idx.add.f32.msk $0xffff, v1  }
0xe7: {  	v2 =	vld [tilespmem:s12+$0x5B0];
	_ =	sdelay $0x7  }
0xe8: {  	[tilespmem:v2+s9+$0x0] =	vst.idx.add.f32.msk $0xffff, v1  }
0xe9: {  	v2 =	vld [tilespmem:s12+$0x5C0];
	_ =	sdelay $0x7  }
0xea: {  	[tilespmem:v2+s9+$0x0] =	vst.idx.add.f32.msk $0xffff, v1  }
0xeb: {  	v2 =	vld [tilespmem:s12+$0x5D0];
	_ =	sdelay $0x7  }
0xec: {  	[tilespmem:v2+s9+$0x0] =	vst.idx.add.f32.msk $0xffff, v1  }
0xed: {  	v2 =	vld [tilespmem:s12+$0x5E0];
	_ =	sdelay $0x7  }
0xee: {  	[tilespmem:v2+s9+$0x0] =	vst.idx.add.f32.msk $0xffff, v1  }
0xef: {  	v2 =	vld [tilespmem:s12+$0x5F0];
	_ =	sdelay $0x7  }
0xf0: {  	[tilespmem:v2+s9+$0x0] =	vst.idx.add.f32.msk $0xffff, v1  }
0xf1: {  	v2 =	vld [tilespmem:s12+$0x600];
	_ =	sdelay $0x7  }
0xf2: {  	[tilespmem:v2+s9+$0x0] =	vst.idx.add.f32.msk $0xffff, v1  }
0xf3: {  	v2 =	vld [tilespmem:s12+$0x610];
	_ =	sdelay $0x7  }
0xf4: {  	[tilespmem:v2+s9+$0x0] =	vst.idx.add.f32.msk $0xffff, v1  }
0xf5: {  	v2 =	vld [tilespmem:s12+$0x620];
	_ =	sdelay $0x7  }
0xf6: {  	[tilespmem:v2+s9+$0x0] =	vst.idx.add.f32.msk $0xffff, v1  }
0xf7: {  	v2 =	vld [tilespmem:s12+$0x630];
	_ =	sdelay $0x7  }
0xf8: {  	[tilespmem:v2+s9+$0x0] =	vst.idx.add.f32.msk $0xffff, v1  }
0xf9: {  	v2 =	vld [tilespmem:s12+$0x640];
	_ =	sdelay $0x7  }
0xfa: {  	[tilespmem:v2+s9+$0x0] =	vst.idx.add.f32.msk $0xffff, v1  }
0xfb: {  	v2 =	vld [tilespmem:s12+$0x650];
	_ =	sdelay $0x7  }
0xfc: {  	[tilespmem:v2+s9+$0x0] =	vst.idx.add.f32.msk $0xffff, v1  }
0xfd: {  	v2 =	vld [tilespmem:s12+$0x660];
	_ =	sdelay $0x7  }
0xfe: {  	[tilespmem:v2+s9+$0x0] =	vst.idx.add.f32.msk $0xffff, v1  }
0xff: {  	v2 =	vld [tilespmem:s12+$0x670];
	_ =	sdelay $0x2  }
0x100: {  	p0 =	sne.s32 s11, $0x32600  }
.Ltmp2:
0x101: {  	_ = 	snop;
	(pc) =	sbr.rel @p0 .LBB2_5-.Ltmp2, $2  }
0x102: {  	_ =	sdelay $0x2  }
0x103: {  	s11 =	sadd.s32 $0x1A00, s11;
	[tilespmem:v2+s9+$0x0] =	vst.idx.add.f32.msk $0xffff, v1  }
0x104: {  	s2 =	sadd.s32 $0x1, s2  }
0x105: {  	p0 =	sne.s32 s2, s5  }
.Ltmp3:
0x106: {  	_ = 	snop;
	(pc) =	sbr.rel @p0 .LBB2_2-.Ltmp3, $4  }
0x107: {  	[hbm4b:s3+s6] =	stream.strided.scatter [tilespmem:s9], [sflag:$0x2], $0x9F80, s7, s6, $0x38;
	[tilespmem:$0x16F80] =	vst v63  }
0x108: {  	_ =	swait.ge [sflag:s10], $0x9F80  }
0x109: {  	[sflag:s10] =	ssyncset.done $0x0  }
0x10a: {  	[sflag:s10] =	ssyncadd.s32 $0xFFFF6080  }
.LBB2_7:
0x10b: {  	_ =	sfence.sel $0x180000  }
0x10c: {  	[bflag:$0x0] =	sbarrier.arrive $0xFFFF  }
0x10d: {  	p0 =	sne.s32 s1, $0x0;
	_ =	strace $0x90000047  }
0x10e: {  	s0 =	sadd.s32 @!p0 $0x100000, s0;
	[bflag:$0x2] =	sbarrier.arrive $0xFFFF  }
0x10f: {  	[sflag:s0] =	ssyncadd.tile.s32 @!p0 $0x1;
	_ =	shalt  }
.Lfunc_end2:
_tile_overlayer_lowered:
.L_overlay_start_2:
0x110: {  	(tag) =	ssettag $0x2  }
0x111: {  	s0 =	rddreg [dreg:$0x0];
	s2 =	stileid.u32  }
0x112: {  	s1 =	rddreg [dreg:$0x1];
	p0 =	sne.s32 s2, $0x0  }
0x113: {  	s3 =	rddreg [dreg:$0x2];
	[bflag:$0x3] =	sbarrier.arrive $0xFFFF;
	s2 =	simm.s32 @!p0 $0x1C02  }
0x114: {  	[timem:s3], [sflag:s2] =	dma.local @!p0 [hbm:s0], s1  }
0x115: {  	s0 =	simm.s32 @!p0 $0x2  }
0x116: {  	_ =	swait.ge @!p0 [sflag:s0], s1  }
0x117: {  	s1 =	ssub.s32 @!p0 $0x0, s1;
	[sflag:s0] =	ssyncset.done @!p0 $0x0  }
0x118: {  	[sflag:s0] =	ssyncadd.s32 @!p0 s1  }
0x119: {  	[bflag:$0x3] =	sbarrier.arrive $0xFFFF  }
0x11a: {  	_ =	shalt  }

</sc_bundles>
